<compile_context>
chip_gen: v7x
topology: tpu7x:2x2x1
jax: 0.10.2.dev20260603
libtpu: 0.0.44.dev20260713+nightly
codegen_flags: <defaults>
</compile_context>

<pallas_src>
import functools

import jax
import jax.numpy as jnp
from jax import lax
from jax.experimental import pallas as pl
from jax.experimental.pallas import tpu as pltpu
from jax.experimental.pallas import tpu_sc as plsc

_B = 1024
_NW = 32
_L = 16

_TOPK_SCALE = 2.5


def _scores_block(x_ref, w_ref, b_ref, s_ref):
    x = x_ref[...]
    w = w_ref[...]
    bias = b_ref[...]
    h = jax.lax.dot_general(w, x, (((1,), (1,)), ((), ())),
                            preferred_element_type=jnp.float32)
    s_ref[...] = jax.nn.sigmoid(h) + bias


def _tc_scores(hidden_tensor, weight, scores_bias):
    T, D = hidden_tensor.shape
    E = weight.shape[0]
    return pl.pallas_call(
        _scores_block,
        grid=(T // _B,),
        in_specs=[
            pl.BlockSpec((_B, D), lambda i: (i, 0)),
            pl.BlockSpec((E, D), lambda i: (0, 0)),
            pl.BlockSpec((E, 1), lambda i: (0, 0)),
        ],
        out_specs=pl.BlockSpec((E, _B), lambda i: (0, i)),
        out_shape=jax.ShapeDtypeStruct((E, T), jnp.float32),
    )(hidden_tensor, weight, scores_bias.reshape(E, 1))


def _first_idx(vals, target, n):
    out = jnp.full((_L,), n - 1, jnp.int32)
    for k in range(n - 2, -1, -1):
        out = jnp.where(vals[k] == target, jnp.int32(k), out)
    return out


def _route16(s):
    neg = jnp.float32(-1.0)
    gw = [s[0] + s[1], s[2] + s[3], s[4] + s[5], s[6] + s[7]]
    gmax = jnp.maximum(jnp.maximum(gw[0], gw[1]), jnp.maximum(gw[2], gw[3]))
    g1 = _first_idx(gw, gmax, 4)
    gwb = [jnp.where(g1 == k, neg, gw[k]) for k in range(4)]
    gmax2 = jnp.maximum(jnp.maximum(gwb[0], gwb[1]),
                        jnp.maximum(gwb[2], gwb[3]))
    g2 = _first_idx(gwb, gmax2, 4)

    m = [jnp.where((g1 == (e >> 1)) | (g2 == (e >> 1)), s[e], 0.0)
         for e in range(8)]
    v1 = m[0]
    for e in range(1, 8):
        v1 = jnp.maximum(v1, m[e])
    e1 = _first_idx(m, v1, 8)
    mb = [jnp.where(e1 == e, neg, m[e]) for e in range(8)]
    v2 = mb[0]
    for e in range(1, 8):
        v2 = jnp.maximum(v2, mb[e])
    e2 = _first_idx(mb, v2, 8)

    scale = _TOPK_SCALE / (v1 + v2)
    return e1, e2, v1 * scale, v2 * scale


def _sc_route_kernel(T):
    C = T // _NW
    mesh = plsc.VectorSubcoreMesh(core_axis_name="c", subcore_axis_name="s")

    @functools.partial(
        pl.kernel, mesh=mesh,
        out_type=[
            jax.ShapeDtypeStruct((T,), jnp.int32),
            jax.ShapeDtypeStruct((T,), jnp.int32),
            jax.ShapeDtypeStruct((T,), jnp.float32),
            jax.ShapeDtypeStruct((T,), jnp.float32),
        ],
        scratch_types=[
            pltpu.VMEM((8, C), jnp.float32),
            pltpu.VMEM((C,), jnp.int32),
            pltpu.VMEM((C,), jnp.int32),
            pltpu.VMEM((C,), jnp.float32),
            pltpu.VMEM((C,), jnp.float32),
        ],
    )
    def route(s_hbm, e1_hbm, e2_hbm, w1_hbm, w2_hbm,
              s_v, e1_v, e2_v, w1_v, w2_v):
        wid = lax.axis_index("s") * 2 + lax.axis_index("c")
        base = wid * C
        pltpu.sync_copy(s_hbm.at[:, pl.ds(base, C)], s_v)

        def body(i, carry):
            off = i * _L
            s = [s_v[e, pl.ds(off, _L)] for e in range(8)]
            e1, e2, w1, w2 = _route16(s)
            e1_v[pl.ds(off, _L)] = e1
            e2_v[pl.ds(off, _L)] = e2
            w1_v[pl.ds(off, _L)] = w1
            w2_v[pl.ds(off, _L)] = w2
            return carry

        lax.fori_loop(0, C // _L, body, 0)
        pltpu.sync_copy(e1_v, e1_hbm.at[pl.ds(base, C)])
        pltpu.sync_copy(e2_v, e2_hbm.at[pl.ds(base, C)])
        pltpu.sync_copy(w1_v, w1_hbm.at[pl.ds(base, C)])
        pltpu.sync_copy(w2_v, w2_hbm.at[pl.ds(base, C)])

    return route


def kernel(hidden_tensor, weight, scores_bias):
    T, _ = hidden_tensor.shape
    scores = _tc_scores(hidden_tensor, weight, scores_bias)
    e1, e2, w1, w2 = _sc_route_kernel(T)(scores)
    return (jnp.stack([e1, e2], axis=1), jnp.stack([w1, w2], axis=1))

# --- scband reference (transcript-rebuilt; emitter-appended) ---
"""Pipeline reference for scband-nemotron-router-71966472012142 (READ-ONLY COPY).

The authoritative reference and input builder live on the scoring server;
editing this copy changes nothing except your own understanding.
"""

import jax, jax.numpy as jnp
import numpy as np

TOPK = 2
N_GROUPS = 4
N_EXPERTS = 8
TOPK_GROUPS = 2
NORM_WEIGHTS = True
SCALING_FACTOR = 2.5
MIN_CORRECTION_VAL = 0.001
HIDDEN_DIM = 2048
N_TOKENS = 32768


def setup_inputs(seed: int = 0) -> dict:
    key = jax.random.key(seed)
    k1, k2 = jax.random.split(key)
    hidden_tensor = jax.random.normal(k1, (N_TOKENS, HIDDEN_DIM), dtype=jnp.float32)
    weight = jax.random.normal(k2, (N_EXPERTS, HIDDEN_DIM), dtype=jnp.float32) * 0.02
    scores_bias = jnp.full((N_EXPERTS,), MIN_CORRECTION_VAL, dtype=jnp.float32)
    return {"hidden_tensor": hidden_tensor, "weight": weight, "scores_bias": scores_bias}


def reference(hidden_tensor, weight, scores_bias):
    # router projection: [T, d] @ [d, E] -> [T, E]
    h = hidden_tensor.astype(jnp.float32) @ weight.astype(jnp.float32).T
    scores = jax.nn.sigmoid(h)
    # in torch the bias add is in-place on the same tensor, so downstream
    # gather sees biased scores
    s = scores + scores_bias[None, :]
    T = s.shape[0]
    per_group = N_EXPERTS // N_GROUPS
    sg = s.reshape(T, N_GROUPS, per_group)
    # group weight = sum of top-2 expert scores per group (intended semantics)
    group_vals, _ = jax.lax.top_k(sg, 2)
    group_weights = group_vals.sum(-1)
    # select top-k groups
    _, top_groups = jax.lax.top_k(group_weights, TOPK_GROUPS)
    group_mask = jnp.zeros((T, N_GROUPS), dtype=jnp.float32).at[
        jnp.arange(T)[:, None], top_groups
    ].set(1.0)
    expert_mask = jnp.repeat(group_mask, per_group, axis=1)  # [T, E]
    masked_score = jnp.where(expert_mask > 0, s, 0.0)
    # top-k experts over masked scores
    _, expert_idx = jax.lax.top_k(masked_score, TOPK)
    weights = jnp.take_along_axis(s, expert_idx, axis=1)
    if NORM_WEIGHTS:
        weights = weights / weights.sum(axis=-1, keepdims=True)
    weights = weights * SCALING_FACTOR
    return (expert_idx, weights)

if __name__ == "__main__":
    import jax
    _d = setup_inputs()
    print(jax.jit(kernel)(*tuple(_d.values())))

</pallas_src>

<mosaic_0001>
#map = affine_map<(d0, d1) -> (0, 0)>
#map1 = affine_map<(d0, d1) -> (0)>
module attributes {stable_mosaic.version = 14 : i64} {
  func.func @route(%arg0: i32, %arg1: i32, %arg2: memref<8x32768xf32, #tpu.memory_space<hbm>>, %arg3: memref<32768xi32, #tpu.memory_space<hbm>>, %arg4: memref<32768xi32, #tpu.memory_space<hbm>>, %arg5: memref<32768xf32, #tpu.memory_space<hbm>>, %arg6: memref<32768xf32, #tpu.memory_space<hbm>>, %arg7: memref<8x1024xf32, #tpu.memory_space<vmem>>, %arg8: memref<1024xi32, #tpu.memory_space<vmem>>, %arg9: memref<1024xi32, #tpu.memory_space<vmem>>, %arg10: memref<1024xf32, #tpu.memory_space<vmem>>, %arg11: memref<1024xf32, #tpu.memory_space<vmem>>) attributes {dimension_semantics = [#tpu.dimension_semantics<core_parallel>, #tpu.dimension_semantics<subcore_parallel>], iteration_bounds = array<i64: 2, 16>, scalar_prefetch = 0 : i64, scratch_operands = 5 : i64, tpu.core_type = #tpu.core_type<sc_vector_subcore>, window_params = [{transform_indices = #map}, {transform_indices = #map1}, {transform_indices = #map1}, {transform_indices = #map1}, {transform_indices = #map1}]} {
    %mul3A = arith.constant 2 : i32
    %mul3A_0 = arith.muli %arg1, %mul3A : i32
    %add3A = arith.addi %mul3A_0, %arg0 : i32
    %mul3A_1 = arith.constant 1024 : i32
    %mul3A_2 = arith.muli %add3A, %mul3A_1 : i32
    "tpu.region"() ({
      %run_scoped3A = tpu.sem_alloc : memref<!tpu.dma_semaphore, #tpu.memory_space<semaphore_mem>>
      %dma_start3A = arith.constant 0 : i32
      %dma_start3A_8 = tpu.memref_slice %arg2[%dma_start3A, %mul3A_2] : memref<8x32768xf32, #tpu.memory_space<hbm>> -> memref<8x1024xf32, #tpu.memory_space<hbm>>
      %dma_start3A_9 = arith.constant 0 : i32
      %dma_start3A_10 = tpu.memref_slice %arg2[%dma_start3A_9, %mul3A_2] : memref<8x32768xf32, #tpu.memory_space<hbm>> -> memref<8x1024xf32, #tpu.memory_space<hbm>>
      tpu.enqueue_dma source(%dma_start3A_10 : memref<8x1024xf32, #tpu.memory_space<hbm>>) target(%arg7 : memref<8x1024xf32, #tpu.memory_space<vmem>>) target_semaphore(%run_scoped3A : memref<!tpu.dma_semaphore, #tpu.memory_space<semaphore_mem>>)
      %dma_wait3A = arith.constant 0 : i32
      %dma_wait3A_11 = tpu.memref_slice %arg2[%dma_wait3A, %mul3A_2] : memref<8x32768xf32, #tpu.memory_space<hbm>> -> memref<8x1024xf32, #tpu.memory_space<hbm>>
      %dma_wait3A_12 = arith.constant 0 : i32
      %dma_wait3A_13 = tpu.memref_slice %arg2[%dma_wait3A_12, %mul3A_2] : memref<8x32768xf32, #tpu.memory_space<hbm>> -> memref<8x1024xf32, #tpu.memory_space<hbm>>
      tpu.wait_dma2 semaphore(%run_scoped3A : memref<!tpu.dma_semaphore, #tpu.memory_space<semaphore_mem>>) src(%dma_wait3A_13 : memref<8x1024xf32, #tpu.memory_space<hbm>>) dst(%arg7 : memref<8x1024xf32, #tpu.memory_space<vmem>>)
      tpu.yield
    }) : () -> ()
    %scan3A = arith.constant 0 : i32
    %scan3A_3 = arith.constant 0 : i32
    %scan3A_4 = arith.constant 64 : i32
    %scan3A_5 = arith.addi %scan3A_3, %scan3A_4 : i32
    %scan3A_6 = arith.constant 1 : i32
    scf.for %scan3A_8 = %scan3A_3 to %scan3A_5 step %scan3A_6  : i32 {
      %mul3A_9 = arith.constant 16 : i32
      %mul3A_10 = arith.muli %scan3A_8, %mul3A_9 : i32
      %get3A = arith.constant 0 : i32
      %get3A_11 = arith.index_cast %get3A : i32 to index
      %get3A_12 = arith.index_cast %mul3A_10 : i32 to index
      %get3A_13 = tpu.vector_load %arg7[%get3A_11, %get3A_12] {strides = array<i32>} : memref<8x1024xf32, #tpu.memory_space<vmem>>, vector<1x16xf32>,
      %get3A_14 = vector.shape_cast %get3A_13 : vector<1x16xf32> to vector<16xf32>
      %get3A_15 = arith.constant 1 : i32
      %get3A_16 = arith.index_cast %get3A_15 : i32 to index
      %get3A_17 = arith.index_cast %mul3A_10 : i32 to index
      %get3A_18 = tpu.vector_load %arg7[%get3A_16, %get3A_17] {strides = array<i32>} : memref<8x1024xf32, #tpu.memory_space<vmem>>, vector<1x16xf32>,
      %get3A_19 = vector.shape_cast %get3A_18 : vector<1x16xf32> to vector<16xf32>
      %get3A_20 = arith.constant 2 : i32
      %get3A_21 = arith.index_cast %get3A_20 : i32 to index
      %get3A_22 = arith.index_cast %mul3A_10 : i32 to index
      %get3A_23 = tpu.vector_load %arg7[%get3A_21, %get3A_22] {strides = array<i32>} : memref<8x1024xf32, #tpu.memory_space<vmem>>, vector<1x16xf32>,
      %get3A_24 = vector.shape_cast %get3A_23 : vector<1x16xf32> to vector<16xf32>
      %get3A_25 = arith.constant 3 : i32
      %get3A_26 = arith.index_cast %get3A_25 : i32 to index
      %get3A_27 = arith.index_cast %mul3A_10 : i32 to index
      %get3A_28 = tpu.vector_load %arg7[%get3A_26, %get3A_27] {strides = array<i32>} : memref<8x1024xf32, #tpu.memory_space<vmem>>, vector<1x16xf32>,
      %get3A_29 = vector.shape_cast %get3A_28 : vector<1x16xf32> to vector<16xf32>
      %get3A_30 = arith.constant 4 : i32
      %get3A_31 = arith.index_cast %get3A_30 : i32 to index
      %get3A_32 = arith.index_cast %mul3A_10 : i32 to index
      %get3A_33 = tpu.vector_load %arg7[%get3A_31, %get3A_32] {strides = array<i32>} : memref<8x1024xf32, #tpu.memory_space<vmem>>, vector<1x16xf32>,
      %get3A_34 = vector.shape_cast %get3A_33 : vector<1x16xf32> to vector<16xf32>
      %get3A_35 = arith.constant 5 : i32
      %get3A_36 = arith.index_cast %get3A_35 : i32 to index
      %get3A_37 = arith.index_cast %mul3A_10 : i32 to index
      %get3A_38 = tpu.vector_load %arg7[%get3A_36, %get3A_37] {strides = array<i32>} : memref<8x1024xf32, #tpu.memory_space<vmem>>, vector<1x16xf32>,
      %get3A_39 = vector.shape_cast %get3A_38 : vector<1x16xf32> to vector<16xf32>
      %get3A_40 = arith.constant 6 : i32
      %get3A_41 = arith.index_cast %get3A_40 : i32 to index
      %get3A_42 = arith.index_cast %mul3A_10 : i32 to index
      %get3A_43 = tpu.vector_load %arg7[%get3A_41, %get3A_42] {strides = array<i32>} : memref<8x1024xf32, #tpu.memory_space<vmem>>, vector<1x16xf32>,
      %get3A_44 = vector.shape_cast %get3A_43 : vector<1x16xf32> to vector<16xf32>
      %get3A_45 = arith.constant 7 : i32
      %get3A_46 = arith.index_cast %get3A_45 : i32 to index
      %get3A_47 = arith.index_cast %mul3A_10 : i32 to index
      %get3A_48 = tpu.vector_load %arg7[%get3A_46, %get3A_47] {strides = array<i32>} : memref<8x1024xf32, #tpu.memory_space<vmem>>, vector<1x16xf32>,
      %get3A_49 = vector.shape_cast %get3A_48 : vector<1x16xf32> to vector<16xf32>
      %add3A_50 = arith.addf %get3A_14, %get3A_19 : vector<16xf32>
      %add3A_51 = arith.addf %get3A_24, %get3A_29 : vector<16xf32>
      %add3A_52 = arith.addf %get3A_34, %get3A_39 : vector<16xf32>
      %add3A_53 = arith.addf %get3A_44, %get3A_49 : vector<16xf32>
      %max3A = arith.maximumf %add3A_50, %add3A_51 : vector<16xf32>
      %max3A_54 = arith.maximumf %add3A_52, %add3A_53 : vector<16xf32>
      %max3A_55 = arith.maximumf %max3A, %max3A_54 : vector<16xf32>
      %broadcast_in_dim3A = arith.constant 3 : i32
      %broadcast_in_dim3A_56 = vector.broadcast %broadcast_in_dim3A : i32 to vector<16xi32>
      %eq3A = arith.cmpf oeq, %add3A_52, %max3A_55 : vector<16xf32>
      %jit3A = arith.constant 2 : i32
      %broadcast_in_dim3A_57 = vector.broadcast %jit3A : i32 to vector<16xi32>
      %select_n3A = arith.select %eq3A, %broadcast_in_dim3A_57, %broadcast_in_dim3A_56 : vector<16xi1>, vector<16xi32>
      %eq3A_58 = arith.cmpf oeq, %add3A_51, %max3A_55 : vector<16xf32>
      %jit3A_59 = arith.constant 1 : i32
      %broadcast_in_dim3A_60 = vector.broadcast %jit3A_59 : i32 to vector<16xi32>
      %select_n3A_61 = arith.select %eq3A_58, %broadcast_in_dim3A_60, %select_n3A : vector<16xi1>, vector<16xi32>
      %eq3A_62 = arith.cmpf oeq, %add3A_50, %max3A_55 : vector<16xf32>
      %jit3A_63 = arith.constant 0 : i32
      %broadcast_in_dim3A_64 = vector.broadcast %jit3A_63 : i32 to vector<16xi32>
      %select_n3A_65 = arith.select %eq3A_62, %broadcast_in_dim3A_64, %select_n3A_61 : vector<16xi1>, vector<16xi32>
      %eq3A_66 = arith.constant 0 : i32
      %eq3A_67 = vector.broadcast %eq3A_66 : i32 to vector<16xi32>
      %eq3A_68 = arith.cmpi eq, %select_n3A_65, %eq3A_67 : vector<16xi32>
      %jit3A_69 = arith.constant -1.000000e+00 : f32
      %broadcast_in_dim3A_70 = vector.broadcast %jit3A_69 : f32 to vector<16xf32>
      %select_n3A_71 = arith.select %eq3A_68, %broadcast_in_dim3A_70, %add3A_50 : vector<16xi1>, vector<16xf32>
      %eq3A_72 = arith.constant 1 : i32
      %eq3A_73 = vector.broadcast %eq3A_72 : i32 to vector<16xi32>
      %eq3A_74 = arith.cmpi eq, %select_n3A_65, %eq3A_73 : vector<16xi32>
      %jit3A_75 = arith.constant -1.000000e+00 : f32
      %broadcast_in_dim3A_76 = vector.broadcast %jit3A_75 : f32 to vector<16xf32>
      %select_n3A_77 = arith.select %eq3A_74, %broadcast_in_dim3A_76, %add3A_51 : vector<16xi1>, vector<16xf32>
      %eq3A_78 = arith.constant 2 : i32
      %eq3A_79 = vector.broadcast %eq3A_78 : i32 to vector<16xi32>
      %eq3A_80 = arith.cmpi eq, %select_n3A_65, %eq3A_79 : vector<16xi32>
      %jit3A_81 = arith.constant -1.000000e+00 : f32
      %broadcast_in_dim3A_82 = vector.broadcast %jit3A_81 : f32 to vector<16xf32>
      %select_n3A_83 = arith.select %eq3A_80, %broadcast_in_dim3A_82, %add3A_52 : vector<16xi1>, vector<16xf32>
      %eq3A_84 = arith.constant 3 : i32
      %eq3A_85 = vector.broadcast %eq3A_84 : i32 to vector<16xi32>
      %eq3A_86 = arith.cmpi eq, %select_n3A_65, %eq3A_85 : vector<16xi32>
      %jit3A_87 = arith.constant -1.000000e+00 : f32
      %broadcast_in_dim3A_88 = vector.broadcast %jit3A_87 : f32 to vector<16xf32>
      %select_n3A_89 = arith.select %eq3A_86, %broadcast_in_dim3A_88, %add3A_53 : vector<16xi1>, vector<16xf32>
      %max3A_90 = arith.maximumf %select_n3A_71, %select_n3A_77 : vector<16xf32>
      %max3A_91 = arith.maximumf %select_n3A_83, %select_n3A_89 : vector<16xf32>
      %max3A_92 = arith.maximumf %max3A_90, %max3A_91 : vector<16xf32>
      %broadcast_in_dim3A_93 = arith.constant 3 : i32
      %broadcast_in_dim3A_94 = vector.broadcast %broadcast_in_dim3A_93 : i32 to vector<16xi32>
      %eq3A_95 = arith.cmpf oeq, %select_n3A_83, %max3A_92 : vector<16xf32>
      %jit3A_96 = arith.constant 2 : i32
      %broadcast_in_dim3A_97 = vector.broadcast %jit3A_96 : i32 to vector<16xi32>
      %select_n3A_98 = arith.select %eq3A_95, %broadcast_in_dim3A_97, %broadcast_in_dim3A_94 : vector<16xi1>, vector<16xi32>
      %eq3A_99 = arith.cmpf oeq, %select_n3A_77, %max3A_92 : vector<16xf32>
      %jit3A_100 = arith.constant 1 : i32
      %broadcast_in_dim3A_101 = vector.broadcast %jit3A_100 : i32 to vector<16xi32>
      %select_n3A_102 = arith.select %eq3A_99, %broadcast_in_dim3A_101, %select_n3A_98 : vector<16xi1>, vector<16xi32>
      %eq3A_103 = arith.cmpf oeq, %select_n3A_71, %max3A_92 : vector<16xf32>
      %jit3A_104 = arith.constant 0 : i32
      %broadcast_in_dim3A_105 = vector.broadcast %jit3A_104 : i32 to vector<16xi32>
      %select_n3A_106 = arith.select %eq3A_103, %broadcast_in_dim3A_105, %select_n3A_102 : vector<16xi1>, vector<16xi32>
      %eq3A_107 = arith.constant 0 : i32
      %eq3A_108 = vector.broadcast %eq3A_107 : i32 to vector<16xi32>
      %eq3A_109 = arith.cmpi eq, %select_n3A_65, %eq3A_108 : vector<16xi32>
      %eq3A_110 = arith.constant 0 : i32
      %eq3A_111 = vector.broadcast %eq3A_110 : i32 to vector<16xi32>
      %eq3A_112 = arith.cmpi eq, %select_n3A_106, %eq3A_111 : vector<16xi32>
      %or3A = arith.ori %eq3A_109, %eq3A_112 : vector<16xi1>
      %jit3A_113 = arith.constant 0.000000e+00 : f32
      %broadcast_in_dim3A_114 = vector.broadcast %jit3A_113 : f32 to vector<16xf32>
      %select_n3A_115 = arith.select %or3A, %get3A_14, %broadcast_in_dim3A_114 : vector<16xi1>, vector<16xf32>
      %eq3A_116 = arith.constant 0 : i32
      %eq3A_117 = vector.broadcast %eq3A_116 : i32 to vector<16xi32>
      %eq3A_118 = arith.cmpi eq, %select_n3A_65, %eq3A_117 : vector<16xi32>
      %eq3A_119 = arith.constant 0 : i32
      %eq3A_120 = vector.broadcast %eq3A_119 : i32 to vector<16xi32>
      %eq3A_121 = arith.cmpi eq, %select_n3A_106, %eq3A_120 : vector<16xi32>
      %or3A_122 = arith.ori %eq3A_118, %eq3A_121 : vector<16xi1>
      %jit3A_123 = arith.constant 0.000000e+00 : f32
      %broadcast_in_dim3A_124 = vector.broadcast %jit3A_123 : f32 to vector<16xf32>
      %select_n3A_125 = arith.select %or3A_122, %get3A_19, %broadcast_in_dim3A_124 : vector<16xi1>, vector<16xf32>
      %eq3A_126 = arith.constant 1 : i32
      %eq3A_127 = vector.broadcast %eq3A_126 : i32 to vector<16xi32>
      %eq3A_128 = arith.cmpi eq, %select_n3A_65, %eq3A_127 : vector<16xi32>
      %eq3A_129 = arith.constant 1 : i32
      %eq3A_130 = vector.broadcast %eq3A_129 : i32 to vector<16xi32>
      %eq3A_131 = arith.cmpi eq, %select_n3A_106, %eq3A_130 : vector<16xi32>
      %or3A_132 = arith.ori %eq3A_128, %eq3A_131 : vector<16xi1>
      %jit3A_133 = arith.constant 0.000000e+00 : f32
      %broadcast_in_dim3A_134 = vector.broadcast %jit3A_133 : f32 to vector<16xf32>
      %select_n3A_135 = arith.select %or3A_132, %get3A_24, %broadcast_in_dim3A_134 : vector<16xi1>, vector<16xf32>
      %eq3A_136 = arith.constant 1 : i32
      %eq3A_137 = vector.broadcast %eq3A_136 : i32 to vector<16xi32>
      %eq3A_138 = arith.cmpi eq, %select_n3A_65, %eq3A_137 : vector<16xi32>
      %eq3A_139 = arith.constant 1 : i32
      %eq3A_140 = vector.broadcast %eq3A_139 : i32 to vector<16xi32>
      %eq3A_141 = arith.cmpi eq, %select_n3A_106, %eq3A_140 : vector<16xi32>
      %or3A_142 = arith.ori %eq3A_138, %eq3A_141 : vector<16xi1>
      %jit3A_143 = arith.constant 0.000000e+00 : f32
      %broadcast_in_dim3A_144 = vector.broadcast %jit3A_143 : f32 to vector<16xf32>
      %select_n3A_145 = arith.select %or3A_142, %get3A_29, %broadcast_in_dim3A_144 : vector<16xi1>, vector<16xf32>
      %eq3A_146 = arith.constant 2 : i32
      %eq3A_147 = vector.broadcast %eq3A_146 : i32 to vector<16xi32>
      %eq3A_148 = arith.cmpi eq, %select_n3A_65, %eq3A_147 : vector<16xi32>
      %eq3A_149 = arith.constant 2 : i32
      %eq3A_150 = vector.broadcast %eq3A_149 : i32 to vector<16xi32>
      %eq3A_151 = arith.cmpi eq, %select_n3A_106, %eq3A_150 : vector<16xi32>
      %or3A_152 = arith.ori %eq3A_148, %eq3A_151 : vector<16xi1>
      %jit3A_153 = arith.constant 0.000000e+00 : f32
      %broadcast_in_dim3A_154 = vector.broadcast %jit3A_153 : f32 to vector<16xf32>
      %select_n3A_155 = arith.select %or3A_152, %get3A_34, %broadcast_in_dim3A_154 : vector<16xi1>, vector<16xf32>
      %eq3A_156 = arith.constant 2 : i32
      %eq3A_157 = vector.broadcast %eq3A_156 : i32 to vector<16xi32>
      %eq3A_158 = arith.cmpi eq, %select_n3A_65, %eq3A_157 : vector<16xi32>
      %eq3A_159 = arith.constant 2 : i32
      %eq3A_160 = vector.broadcast %eq3A_159 : i32 to vector<16xi32>
      %eq3A_161 = arith.cmpi eq, %select_n3A_106, %eq3A_160 : vector<16xi32>
      %or3A_162 = arith.ori %eq3A_158, %eq3A_161 : vector<16xi1>
      %jit3A_163 = arith.constant 0.000000e+00 : f32
      %broadcast_in_dim3A_164 = vector.broadcast %jit3A_163 : f32 to vector<16xf32>
      %select_n3A_165 = arith.select %or3A_162, %get3A_39, %broadcast_in_dim3A_164 : vector<16xi1>, vector<16xf32>
      %eq3A_166 = arith.constant 3 : i32
      %eq3A_167 = vector.broadcast %eq3A_166 : i32 to vector<16xi32>
      %eq3A_168 = arith.cmpi eq, %select_n3A_65, %eq3A_167 : vector<16xi32>
      %eq3A_169 = arith.constant 3 : i32
      %eq3A_170 = vector.broadcast %eq3A_169 : i32 to vector<16xi32>
      %eq3A_171 = arith.cmpi eq, %select_n3A_106, %eq3A_170 : vector<16xi32>
      %or3A_172 = arith.ori %eq3A_168, %eq3A_171 : vector<16xi1>
      %jit3A_173 = arith.constant 0.000000e+00 : f32
      %broadcast_in_dim3A_174 = vector.broadcast %jit3A_173 : f32 to vector<16xf32>
      %select_n3A_175 = arith.select %or3A_172, %get3A_44, %broadcast_in_dim3A_174 : vector<16xi1>, vector<16xf32>
      %eq3A_176 = arith.constant 3 : i32
      %eq3A_177 = vector.broadcast %eq3A_176 : i32 to vector<16xi32>
      %eq3A_178 = arith.cmpi eq, %select_n3A_65, %eq3A_177 : vector<16xi32>
      %eq3A_179 = arith.constant 3 : i32
      %eq3A_180 = vector.broadcast %eq3A_179 : i32 to vector<16xi32>
      %eq3A_181 = arith.cmpi eq, %select_n3A_106, %eq3A_180 : vector<16xi32>
      %or3A_182 = arith.ori %eq3A_178, %eq3A_181 : vector<16xi1>
      %jit3A_183 = arith.constant 0.000000e+00 : f32
      %broadcast_in_dim3A_184 = vector.broadcast %jit3A_183 : f32 to vector<16xf32>
      %select_n3A_185 = arith.select %or3A_182, %get3A_49, %broadcast_in_dim3A_184 : vector<16xi1>, vector<16xf32>
      %max3A_186 = arith.maximumf %select_n3A_115, %select_n3A_125 : vector<16xf32>
      %max3A_187 = arith.maximumf %max3A_186, %select_n3A_135 : vector<16xf32>
      %max3A_188 = arith.maximumf %max3A_187, %select_n3A_145 : vector<16xf32>
      %max3A_189 = arith.maximumf %max3A_188, %select_n3A_155 : vector<16xf32>
      %max3A_190 = arith.maximumf %max3A_189, %select_n3A_165 : vector<16xf32>
      %max3A_191 = arith.maximumf %max3A_190, %select_n3A_175 : vector<16xf32>
      %max3A_192 = arith.maximumf %max3A_191, %select_n3A_185 : vector<16xf32>
      %broadcast_in_dim3A_193 = arith.constant 7 : i32
      %broadcast_in_dim3A_194 = vector.broadcast %broadcast_in_dim3A_193 : i32 to vector<16xi32>
      %eq3A_195 = arith.cmpf oeq, %select_n3A_175, %max3A_192 : vector<16xf32>
      %jit3A_196 = arith.constant 6 : i32
      %broadcast_in_dim3A_197 = vector.broadcast %jit3A_196 : i32 to vector<16xi32>
      %select_n3A_198 = arith.select %eq3A_195, %broadcast_in_dim3A_197, %broadcast_in_dim3A_194 : vector<16xi1>, vector<16xi32>
      %eq3A_199 = arith.cmpf oeq, %select_n3A_165, %max3A_192 : vector<16xf32>
      %jit3A_200 = arith.constant 5 : i32
      %broadcast_in_dim3A_201 = vector.broadcast %jit3A_200 : i32 to vector<16xi32>
      %select_n3A_202 = arith.select %eq3A_199, %broadcast_in_dim3A_201, %select_n3A_198 : vector<16xi1>, vector<16xi32>
      %eq3A_203 = arith.cmpf oeq, %select_n3A_155, %max3A_192 : vector<16xf32>
      %jit3A_204 = arith.constant 4 : i32
      %broadcast_in_dim3A_205 = vector.broadcast %jit3A_204 : i32 to vector<16xi32>
      %select_n3A_206 = arith.select %eq3A_203, %broadcast_in_dim3A_205, %select_n3A_202 : vector<16xi1>, vector<16xi32>
      %eq3A_207 = arith.cmpf oeq, %select_n3A_145, %max3A_192 : vector<16xf32>
      %jit3A_208 = arith.constant 3 : i32
      %broadcast_in_dim3A_209 = vector.broadcast %jit3A_208 : i32 to vector<16xi32>
      %select_n3A_210 = arith.select %eq3A_207, %broadcast_in_dim3A_209, %select_n3A_206 : vector<16xi1>, vector<16xi32>
      %eq3A_211 = arith.cmpf oeq, %select_n3A_135, %max3A_192 : vector<16xf32>
      %jit3A_212 = arith.constant 2 : i32
      %broadcast_in_dim3A_213 = vector.broadcast %jit3A_212 : i32 to vector<16xi32>
      %select_n3A_214 = arith.select %eq3A_211, %broadcast_in_dim3A_213, %select_n3A_210 : vector<16xi1>, vector<16xi32>
      %eq3A_215 = arith.cmpf oeq, %select_n3A_125, %max3A_192 : vector<16xf32>
      %jit3A_216 = arith.constant 1 : i32
      %broadcast_in_dim3A_217 = vector.broadcast %jit3A_216 : i32 to vector<16xi32>
      %select_n3A_218 = arith.select %eq3A_215, %broadcast_in_dim3A_217, %select_n3A_214 : vector<16xi1>, vector<16xi32>
      %eq3A_219 = arith.cmpf oeq, %select_n3A_115, %max3A_192 : vector<16xf32>
      %jit3A_220 = arith.constant 0 : i32
      %broadcast_in_dim3A_221 = vector.broadcast %jit3A_220 : i32 to vector<16xi32>
      %select_n3A_222 = arith.select %eq3A_219, %broadcast_in_dim3A_221, %select_n3A_218 : vector<16xi1>, vector<16xi32>
      %eq3A_223 = arith.constant 0 : i32
      %eq3A_224 = vector.broadcast %eq3A_223 : i32 to vector<16xi32>
      %eq3A_225 = arith.cmpi eq, %select_n3A_222, %eq3A_224 : vector<16xi32>
      %jit3A_226 = arith.constant -1.000000e+00 : f32
      %broadcast_in_dim3A_227 = vector.broadcast %jit3A_226 : f32 to vector<16xf32>
      %select_n3A_228 = arith.select %eq3A_225, %broadcast_in_dim3A_227, %select_n3A_115 : vector<16xi1>, vector<16xf32>
      %eq3A_229 = arith.constant 1 : i32
      %eq3A_230 = vector.broadcast %eq3A_229 : i32 to vector<16xi32>
      %eq3A_231 = arith.cmpi eq, %select_n3A_222, %eq3A_230 : vector<16xi32>
      %jit3A_232 = arith.constant -1.000000e+00 : f32
      %broadcast_in_dim3A_233 = vector.broadcast %jit3A_232 : f32 to vector<16xf32>
      %select_n3A_234 = arith.select %eq3A_231, %broadcast_in_dim3A_233, %select_n3A_125 : vector<16xi1>, vector<16xf32>
      %eq3A_235 = arith.constant 2 : i32
      %eq3A_236 = vector.broadcast %eq3A_235 : i32 to vector<16xi32>
      %eq3A_237 = arith.cmpi eq, %select_n3A_222, %eq3A_236 : vector<16xi32>
      %jit3A_238 = arith.constant -1.000000e+00 : f32
      %broadcast_in_dim3A_239 = vector.broadcast %jit3A_238 : f32 to vector<16xf32>
      %select_n3A_240 = arith.select %eq3A_237, %broadcast_in_dim3A_239, %select_n3A_135 : vector<16xi1>, vector<16xf32>
      %eq3A_241 = arith.constant 3 : i32
      %eq3A_242 = vector.broadcast %eq3A_241 : i32 to vector<16xi32>
      %eq3A_243 = arith.cmpi eq, %select_n3A_222, %eq3A_242 : vector<16xi32>
      %jit3A_244 = arith.constant -1.000000e+00 : f32
      %broadcast_in_dim3A_245 = vector.broadcast %jit3A_244 : f32 to vector<16xf32>
      %select_n3A_246 = arith.select %eq3A_243, %broadcast_in_dim3A_245, %select_n3A_145 : vector<16xi1>, vector<16xf32>
      %eq3A_247 = arith.constant 4 : i32
      %eq3A_248 = vector.broadcast %eq3A_247 : i32 to vector<16xi32>
      %eq3A_249 = arith.cmpi eq, %select_n3A_222, %eq3A_248 : vector<16xi32>
      %jit3A_250 = arith.constant -1.000000e+00 : f32
      %broadcast_in_dim3A_251 = vector.broadcast %jit3A_250 : f32 to vector<16xf32>
      %select_n3A_252 = arith.select %eq3A_249, %broadcast_in_dim3A_251, %select_n3A_155 : vector<16xi1>, vector<16xf32>
      %eq3A_253 = arith.constant 5 : i32
      %eq3A_254 = vector.broadcast %eq3A_253 : i32 to vector<16xi32>
      %eq3A_255 = arith.cmpi eq, %select_n3A_222, %eq3A_254 : vector<16xi32>
      %jit3A_256 = arith.constant -1.000000e+00 : f32
      %broadcast_in_dim3A_257 = vector.broadcast %jit3A_256 : f32 to vector<16xf32>
      %select_n3A_258 = arith.select %eq3A_255, %broadcast_in_dim3A_257, %select_n3A_165 : vector<16xi1>, vector<16xf32>
      %eq3A_259 = arith.constant 6 : i32
      %eq3A_260 = vector.broadcast %eq3A_259 : i32 to vector<16xi32>
      %eq3A_261 = arith.cmpi eq, %select_n3A_222, %eq3A_260 : vector<16xi32>
      %jit3A_262 = arith.constant -1.000000e+00 : f32
      %broadcast_in_dim3A_263 = vector.broadcast %jit3A_262 : f32 to vector<16xf32>
      %select_n3A_264 = arith.select %eq3A_261, %broadcast_in_dim3A_263, %select_n3A_175 : vector<16xi1>, vector<16xf32>
      %eq3A_265 = arith.constant 7 : i32
      %eq3A_266 = vector.broadcast %eq3A_265 : i32 to vector<16xi32>
      %eq3A_267 = arith.cmpi eq, %select_n3A_222, %eq3A_266 : vector<16xi32>
      %jit3A_268 = arith.constant -1.000000e+00 : f32
      %broadcast_in_dim3A_269 = vector.broadcast %jit3A_268 : f32 to vector<16xf32>
      %select_n3A_270 = arith.select %eq3A_267, %broadcast_in_dim3A_269, %select_n3A_185 : vector<16xi1>, vector<16xf32>
      %max3A_271 = arith.maximumf %select_n3A_228, %select_n3A_234 : vector<16xf32>
      %max3A_272 = arith.maximumf %max3A_271, %select_n3A_240 : vector<16xf32>
      %max3A_273 = arith.maximumf %max3A_272, %select_n3A_246 : vector<16xf32>
      %max3A_274 = arith.maximumf %max3A_273, %select_n3A_252 : vector<16xf32>
      %max3A_275 = arith.maximumf %max3A_274, %select_n3A_258 : vector<16xf32>
      %max3A_276 = arith.maximumf %max3A_275, %select_n3A_264 : vector<16xf32>
      %max3A_277 = arith.maximumf %max3A_276, %select_n3A_270 : vector<16xf32>
      %broadcast_in_dim3A_278 = arith.constant 7 : i32
      %broadcast_in_dim3A_279 = vector.broadcast %broadcast_in_dim3A_278 : i32 to vector<16xi32>
      %eq3A_280 = arith.cmpf oeq, %select_n3A_264, %max3A_277 : vector<16xf32>
      %jit3A_281 = arith.constant 6 : i32
      %broadcast_in_dim3A_282 = vector.broadcast %jit3A_281 : i32 to vector<16xi32>
      %select_n3A_283 = arith.select %eq3A_280, %broadcast_in_dim3A_282, %broadcast_in_dim3A_279 : vector<16xi1>, vector<16xi32>
      %eq3A_284 = arith.cmpf oeq, %select_n3A_258, %max3A_277 : vector<16xf32>
      %jit3A_285 = arith.constant 5 : i32
      %broadcast_in_dim3A_286 = vector.broadcast %jit3A_285 : i32 to vector<16xi32>
      %select_n3A_287 = arith.select %eq3A_284, %broadcast_in_dim3A_286, %select_n3A_283 : vector<16xi1>, vector<16xi32>
      %eq3A_288 = arith.cmpf oeq, %select_n3A_252, %max3A_277 : vector<16xf32>
      %jit3A_289 = arith.constant 4 : i32
      %broadcast_in_dim3A_290 = vector.broadcast %jit3A_289 : i32 to vector<16xi32>
      %select_n3A_291 = arith.select %eq3A_288, %broadcast_in_dim3A_290, %select_n3A_287 : vector<16xi1>, vector<16xi32>
      %eq3A_292 = arith.cmpf oeq, %select_n3A_246, %max3A_277 : vector<16xf32>
      %jit3A_293 = arith.constant 3 : i32
      %broadcast_in_dim3A_294 = vector.broadcast %jit3A_293 : i32 to vector<16xi32>
      %select_n3A_295 = arith.select %eq3A_292, %broadcast_in_dim3A_294, %select_n3A_291 : vector<16xi1>, vector<16xi32>
      %eq3A_296 = arith.cmpf oeq, %select_n3A_240, %max3A_277 : vector<16xf32>
      %jit3A_297 = arith.constant 2 : i32
      %broadcast_in_dim3A_298 = vector.broadcast %jit3A_297 : i32 to vector<16xi32>
      %select_n3A_299 = arith.select %eq3A_296, %broadcast_in_dim3A_298, %select_n3A_295 : vector<16xi1>, vector<16xi32>
      %eq3A_300 = arith.cmpf oeq, %select_n3A_234, %max3A_277 : vector<16xf32>
      %jit3A_301 = arith.constant 1 : i32
      %broadcast_in_dim3A_302 = vector.broadcast %jit3A_301 : i32 to vector<16xi32>
      %select_n3A_303 = arith.select %eq3A_300, %broadcast_in_dim3A_302, %select_n3A_299 : vector<16xi1>, vector<16xi32>
      %eq3A_304 = arith.cmpf oeq, %select_n3A_228, %max3A_277 : vector<16xf32>
      %jit3A_305 = arith.constant 0 : i32
      %broadcast_in_dim3A_306 = vector.broadcast %jit3A_305 : i32 to vector<16xi32>
      %select_n3A_307 = arith.select %eq3A_304, %broadcast_in_dim3A_306, %select_n3A_303 : vector<16xi1>, vector<16xi32>
      %add3A_308 = arith.addf %max3A_192, %max3A_277 : vector<16xf32>
      %div3A = arith.constant 2.500000e+00 : f32
      %div3A_309 = vector.broadcast %div3A : f32 to vector<16xf32>
      %div3A_310 = arith.divf %div3A_309, %add3A_308 : vector<16xf32>
      %mul3A_311 = arith.mulf %max3A_192, %div3A_310 : vector<16xf32>
      %mul3A_312 = arith.mulf %max3A_277, %div3A_310 : vector<16xf32>
      %swap3A = arith.index_cast %mul3A_10 : i32 to index
      %swap3A_313 = tpu.vector_load %arg8[%swap3A] {strides = array<i32>} : memref<1024xi32, #tpu.memory_space<vmem>>, vector<16xi32>,
      %swap3A_314 = vector.shape_cast %swap3A_313 : vector<16xi32> to vector<16xi32>
      %swap3A_315 = vector.shape_cast %select_n3A_222 : vector<16xi32> to vector<16xi32>
      tpu.vector_store %arg8[%swap3A], %swap3A_315 {strides = array<i32>} : memref<1024xi32, #tpu.memory_space<vmem>>, vector<16xi32>,
      %swap3A_316 = arith.index_cast %mul3A_10 : i32 to index
      %swap3A_317 = tpu.vector_load %arg9[%swap3A_316] {strides = array<i32>} : memref<1024xi32, #tpu.memory_space<vmem>>, vector<16xi32>,
      %swap3A_318 = vector.shape_cast %swap3A_317 : vector<16xi32> to vector<16xi32>
      %swap3A_319 = vector.shape_cast %select_n3A_307 : vector<16xi32> to vector<16xi32>
      tpu.vector_store %arg9[%swap3A_316], %swap3A_319 {strides = array<i32>} : memref<1024xi32, #tpu.memory_space<vmem>>, vector<16xi32>,
      %swap3A_320 = arith.index_cast %mul3A_10 : i32 to index
      %swap3A_321 = tpu.vector_load %arg10[%swap3A_320] {strides = array<i32>} : memref<1024xf32, #tpu.memory_space<vmem>>, vector<16xf32>,
      %swap3A_322 = vector.shape_cast %swap3A_321 : vector<16xf32> to vector<16xf32>
      %swap3A_323 = vector.shape_cast %mul3A_311 : vector<16xf32> to vector<16xf32>
      tpu.vector_store %arg10[%swap3A_320], %swap3A_323 {strides = array<i32>} : memref<1024xf32, #tpu.memory_space<vmem>>, vector<16xf32>,
      %swap3A_324 = arith.index_cast %mul3A_10 : i32 to index
      %swap3A_325 = tpu.vector_load %arg11[%swap3A_324] {strides = array<i32>} : memref<1024xf32, #tpu.memory_space<vmem>>, vector<16xf32>,
      %swap3A_326 = vector.shape_cast %swap3A_325 : vector<16xf32> to vector<16xf32>
      %swap3A_327 = vector.shape_cast %mul3A_312 : vector<16xf32> to vector<16xf32>
      tpu.vector_store %arg11[%swap3A_324], %swap3A_327 {strides = array<i32>} : memref<1024xf32, #tpu.memory_space<vmem>>, vector<16xf32>,
    }
    %scan3A_7 = arith.constant 64 : i32
    "tpu.region"() ({
      %run_scoped3A = tpu.sem_alloc : memref<!tpu.dma_semaphore, #tpu.memory_space<semaphore_mem>>
      %dma_start3A = tpu.memref_slice %arg3[%mul3A_2] : memref<32768xi32, #tpu.memory_space<hbm>> -> memref<1024xi32, #tpu.memory_space<hbm>>
      %dma_start3A_8 = tpu.memref_slice %arg3[%mul3A_2] : memref<32768xi32, #tpu.memory_space<hbm>> -> memref<1024xi32, #tpu.memory_space<hbm>>
      tpu.enqueue_dma source(%arg8 : memref<1024xi32, #tpu.memory_space<vmem>>) target(%dma_start3A_8 : memref<1024xi32, #tpu.memory_space<hbm>>) target_semaphore(%run_scoped3A : memref<!tpu.dma_semaphore, #tpu.memory_space<semaphore_mem>>)
      %dma_wait3A = tpu.memref_slice %arg3[%mul3A_2] : memref<32768xi32, #tpu.memory_space<hbm>> -> memref<1024xi32, #tpu.memory_space<hbm>>
      %dma_wait3A_9 = tpu.memref_slice %arg3[%mul3A_2] : memref<32768xi32, #tpu.memory_space<hbm>> -> memref<1024xi32, #tpu.memory_space<hbm>>
      tpu.wait_dma2 semaphore(%run_scoped3A : memref<!tpu.dma_semaphore, #tpu.memory_space<semaphore_mem>>) src(%arg8 : memref<1024xi32, #tpu.memory_space<vmem>>) dst(%dma_wait3A_9 : memref<1024xi32, #tpu.memory_space<hbm>>)
      tpu.yield
    }) : () -> ()
    "tpu.region"() ({
      %run_scoped3A = tpu.sem_alloc : memref<!tpu.dma_semaphore, #tpu.memory_space<semaphore_mem>>
      %dma_start3A = tpu.memref_slice %arg4[%mul3A_2] : memref<32768xi32, #tpu.memory_space<hbm>> -> memref<1024xi32, #tpu.memory_space<hbm>>
      %dma_start3A_8 = tpu.memref_slice %arg4[%mul3A_2] : memref<32768xi32, #tpu.memory_space<hbm>> -> memref<1024xi32, #tpu.memory_space<hbm>>
      tpu.enqueue_dma source(%arg9 : memref<1024xi32, #tpu.memory_space<vmem>>) target(%dma_start3A_8 : memref<1024xi32, #tpu.memory_space<hbm>>) target_semaphore(%run_scoped3A : memref<!tpu.dma_semaphore, #tpu.memory_space<semaphore_mem>>)
      %dma_wait3A = tpu.memref_slice %arg4[%mul3A_2] : memref<32768xi32, #tpu.memory_space<hbm>> -> memref<1024xi32, #tpu.memory_space<hbm>>
      %dma_wait3A_9 = tpu.memref_slice %arg4[%mul3A_2] : memref<32768xi32, #tpu.memory_space<hbm>> -> memref<1024xi32, #tpu.memory_space<hbm>>
      tpu.wait_dma2 semaphore(%run_scoped3A : memref<!tpu.dma_semaphore, #tpu.memory_space<semaphore_mem>>) src(%arg9 : memref<1024xi32, #tpu.memory_space<vmem>>) dst(%dma_wait3A_9 : memref<1024xi32, #tpu.memory_space<hbm>>)
      tpu.yield
    }) : () -> ()
    "tpu.region"() ({
      %run_scoped3A = tpu.sem_alloc : memref<!tpu.dma_semaphore, #tpu.memory_space<semaphore_mem>>
      %dma_start3A = tpu.memref_slice %arg5[%mul3A_2] : memref<32768xf32, #tpu.memory_space<hbm>> -> memref<1024xf32, #tpu.memory_space<hbm>>
      %dma_start3A_8 = tpu.memref_slice %arg5[%mul3A_2] : memref<32768xf32, #tpu.memory_space<hbm>> -> memref<1024xf32, #tpu.memory_space<hbm>>
      tpu.enqueue_dma source(%arg10 : memref<1024xf32, #tpu.memory_space<vmem>>) target(%dma_start3A_8 : memref<1024xf32, #tpu.memory_space<hbm>>) target_semaphore(%run_scoped3A : memref<!tpu.dma_semaphore, #tpu.memory_space<semaphore_mem>>)
      %dma_wait3A = tpu.memref_slice %arg5[%mul3A_2] : memref<32768xf32, #tpu.memory_space<hbm>> -> memref<1024xf32, #tpu.memory_space<hbm>>
      %dma_wait3A_9 = tpu.memref_slice %arg5[%mul3A_2] : memref<32768xf32, #tpu.memory_space<hbm>> -> memref<1024xf32, #tpu.memory_space<hbm>>
      tpu.wait_dma2 semaphore(%run_scoped3A : memref<!tpu.dma_semaphore, #tpu.memory_space<semaphore_mem>>) src(%arg10 : memref<1024xf32, #tpu.memory_space<vmem>>) dst(%dma_wait3A_9 : memref<1024xf32, #tpu.memory_space<hbm>>)
      tpu.yield
    }) : () -> ()
    "tpu.region"() ({
      %run_scoped3A = tpu.sem_alloc : memref<!tpu.dma_semaphore, #tpu.memory_space<semaphore_mem>>
      %dma_start3A = tpu.memref_slice %arg6[%mul3A_2] : memref<32768xf32, #tpu.memory_space<hbm>> -> memref<1024xf32, #tpu.memory_space<hbm>>
      %dma_start3A_8 = tpu.memref_slice %arg6[%mul3A_2] : memref<32768xf32, #tpu.memory_space<hbm>> -> memref<1024xf32, #tpu.memory_space<hbm>>
      tpu.enqueue_dma source(%arg11 : memref<1024xf32, #tpu.memory_space<vmem>>) target(%dma_start3A_8 : memref<1024xf32, #tpu.memory_space<hbm>>) target_semaphore(%run_scoped3A : memref<!tpu.dma_semaphore, #tpu.memory_space<semaphore_mem>>)
      %dma_wait3A = tpu.memref_slice %arg6[%mul3A_2] : memref<32768xf32, #tpu.memory_space<hbm>> -> memref<1024xf32, #tpu.memory_space<hbm>>
      %dma_wait3A_9 = tpu.memref_slice %arg6[%mul3A_2] : memref<32768xf32, #tpu.memory_space<hbm>> -> memref<1024xf32, #tpu.memory_space<hbm>>
      tpu.wait_dma2 semaphore(%run_scoped3A : memref<!tpu.dma_semaphore, #tpu.memory_space<semaphore_mem>>) src(%arg11 : memref<1024xf32, #tpu.memory_space<vmem>>) dst(%dma_wait3A_9 : memref<1024xf32, #tpu.memory_space<hbm>>)
      tpu.yield
    }) : () -> ()
    return
  }
}

module attributes {stable_mosaic.version = 14 : i64} {
  func.func @_scores_block(%arg0: i32, %arg1: memref<1024x2048xf32, #tpu.memory_space<vmem>>, %arg2: memref<8x2048xf32, #tpu.memory_space<vmem>>, %arg3: memref<8x1xf32, #tpu.memory_space<vmem>>, %arg4: memref<8x1024xf32, #tpu.memory_space<vmem>>) attributes {dimension_semantics = [#tpu.dimension_semantics<arbitrary>], iteration_bounds = array<i64: 32>, scalar_prefetch = 0 : i64, scratch_operands = 0 : i64, tpu.core_type = #tpu.core_type<tc>, window_params = [{transform_indices = @transform_0, window_bounds = array<i64: 1024, 2048>}, {pipeline_mode = #tpu.pipeline_mode<synchronous>, transform_indices = @transform_1, window_bounds = array<i64: 8, 2048>}, {pipeline_mode = #tpu.pipeline_mode<synchronous>, transform_indices = @transform_2, window_bounds = array<i64: 8, 1>}, {transform_indices = @transform_3, window_bounds = array<i64: 8, 1024>}]} {
    %get3A = arith.constant 0 : index
    %get3A_0 = arith.constant 0 : index
    %get3A_1 = vector.load %arg1[%get3A, %get3A_0] : memref<1024x2048xf32, #tpu.memory_space<vmem>>, vector<1024x2048xf32>
    %get3A_2 = arith.constant 0 : index
    %get3A_3 = arith.constant 0 : index
    %get3A_4 = vector.load %arg2[%get3A_2, %get3A_3] : memref<8x2048xf32, #tpu.memory_space<vmem>>, vector<8x2048xf32>
    %get3A_5 = arith.constant 0 : index
    %get3A_6 = arith.constant 0 : index
    %get3A_7 = vector.load %arg3[%get3A_5, %get3A_6] : memref<8x1xf32, #tpu.memory_space<vmem>>, vector<8x1xf32>
    %dot_general3A = arith.constant dense<0.000000e+00> : vector<8x1024xf32>
    %dot_general3A_8 = tpu.matmul %get3A_4, %get3A_1, %dot_general3A {dimension_numbers = #tpu.dot_dimension_numbers<[1], [1], [0], [0], [0, 0, 1, 0], [], []>, transpose_lhs_hint = false} : vector<8x2048xf32>, vector<1024x2048xf32>, vector<8x1024xf32> -> vector<8x1024xf32>
    %logistic3A = arith.negf %dot_general3A_8 : vector<8x1024xf32>
    %logistic3A_9 = math.exp %logistic3A : vector<8x1024xf32>
    %logistic3A_10 = arith.constant 1.000000e+00 : f32
    %logistic3A_11 = vector.broadcast %logistic3A_10 : f32 to vector<8x1024xf32>
    %logistic3A_12 = arith.addf %logistic3A_11, %logistic3A_9 : vector<8x1024xf32>
    %logistic3A_13 = arith.divf %logistic3A_11, %logistic3A_12 : vector<8x1024xf32>
    %add3A = vector.broadcast %get3A_7 : vector<8x1xf32> to vector<8x1024xf32>
    %add3A_14 = arith.addf %logistic3A_13, %add3A : vector<8x1024xf32>
    %swap3A = arith.constant 0 : index
    %swap3A_15 = arith.constant 0 : index
    %swap3A_16 = vector.load %arg4[%swap3A, %swap3A_15] : memref<8x1024xf32, #tpu.memory_space<vmem>>, vector<8x1024xf32>
    tpu.vector_store %arg4[%swap3A, %swap3A_15], %add3A_14 {strides = array<i32>} : memref<8x1024xf32, #tpu.memory_space<vmem>>, vector<8x1024xf32>,
    return
  }
  func.func @transform_0(%arg0: i32) -> (i32, i32) {
    %c0_i32 = arith.constant 0 : i32
    %c0_i32_0 = arith.constant 0 : i32
    return %arg0, %c0_i32 : i32, i32
  }
  func.func @transform_1(%arg0: i32) -> (i32, i32) {
    %c0_i32 = arith.constant 0 : i32
    %c0_i32_0 = arith.constant 0 : i32
    %c0_i32_1 = arith.constant 0 : i32
    return %c0_i32, %c0_i32_0 : i32, i32
  }
  func.func @transform_2(%arg0: i32) -> (i32, i32) {
    %c0_i32 = arith.constant 0 : i32
    %c0_i32_0 = arith.constant 0 : i32
    %c0_i32_1 = arith.constant 0 : i32
    return %c0_i32, %c0_i32_0 : i32, i32
  }
  func.func @transform_3(%arg0: i32) -> (i32, i32) {
    %c0_i32 = arith.constant 0 : i32
    %c0_i32_0 = arith.constant 0 : i32
    return %c0_i32, %arg0 : i32, i32
  }
}

</mosaic_0001>

<sc_bundles>
// kernel: kernel.4.cloned.1.call-start
scs
__scs_entry_jumppad:
0x0: {  	(pc) =	sbr.rel $0x88, $3  }
0x1: {  	(tag) =	ssettag $0x0;
	lr =	simm.s32 $0x1  }
0x2: {  	[smem:$0x3F9E] =	sst lr;
	_ =	strace $0xD0000000  }
0x3: {  	_ = 	snop  }
0x4: {  	_ = 	snop  }
0x5: {  	_ = 	snop  }
0x6: {  	_ = 	snop  }
0x7: {  	_ = 	snop  }
__scs_overlays_trampoline_lowered:
0x8: {  	[smem:$0x3FAD] =	sst s0  }
0x9: {  	[smem:$0x3FAE] =	sst s1  }
0xa: {  	[smem:$0x3FAF] =	sst s2  }
0xb: {  	[smem:$0x3FB0] =	sst s3  }
0xc: {  	[smem:$0x3FB1] =	sst s4  }
0xd: {  	[smem:$0x3FB2] =	sst s5  }
0xe: {  	[smem:$0x3FB3] =	sst s6  }
0xf: {  	[smem:$0x3FB4] =	sst s7  }
0x10: {  	[smem:$0x3FB5] =	sst s8  }
0x11: {  	[smem:$0x3FB6] =	sst s9;
	s0 =	simm.s32 @!p0 $0x0  }
0x12: {  	s1 =	sld [smem:$0x3F9C];
	s0 =	simm.s32 @p0 $0x1  }
0x13: {  	[smem:$0x3FB7] =	sst s0;
	s0 =	simm.s32 @!p1 $0x0  }
0x14: {  	s2 =	sld [smem:$0x3F9B];
	s0 =	simm.s32 @p1 $0x1  }
0x15: {  	[smem:$0x3FB8] =	sst s0;
	s0 =	simm.s32 @!p2 $0x0  }
0x16: {  	s3 =	sld [smem:$0x3FDB];
	s0 =	simm.s32 @p2 $0x1  }
0x17: {  	s4 =	simm.s32 $0x1BF5;
	[smem:$0x3FBA] =	sst s0  }
0x18: {  	s0 =	sld [smem:$0x3F9D];
	_ =	swait.ge [sflag:s4], $0x0  }
0x19: {  	s7 =	sld [smem:$0x3F9E]  }
0x1a: {  	s8 =	sadd.s32 $0xFFFFE003, lr  }
0x1b: {  	s9 =	sadd.s32 $0xFFFFFEF7, lr;
	s5 =	simm.s32 $0xFFFFFFFF;
	p2 =	slt.u32 s8, $0xFFFFF086  }
0x1c: {  	p1 =	slt.u32 s9, $0xF7A;
	s5 =	simm.s32 @!p2 $0x0  }
0x1d: {  	s5 =	simm.s32 @p1 $0x1;
	p0 =	seq.s32 s7, s2  }
0x1e: {  	s7 =	smul.u32 @!p0 $0xF7A, s2;
	p2 =	seq.s32 @!p0 s5, $0x0  }
0x1f: {  	s9 =	smul.u32 $0xF7A, s1;
	s8 =	simm.s32 @!p0 $0x1BF5;
	p2 =	por !p2, p0  }
0x20: {  	[sflag:s8] =	ssyncset.s32 @!p0 $0xFFFFF086;
	s6 =	sadd.s32 @!p0 s3, s7;
	s7 =	simm.s32 @!p0 $0x108  }
0x21: {  	s3 =	sadd.s32 s3, s9;
	s6 =	sadd.s32 @!p0 $0x88, s6;
	s7 =	simm.s32 @p2 $0x1082  }
0x22: {  	[simem:s7], [sflag:s8] =	dma.local @!p0 [hbm:s6], $0xF7A  }
0x23: {  	s9 =	sor.u32 $0xD0000000, s2;
	s6 =	simm.s32 $0x108;
	_ =	swait.ge @!p0 [sflag:s8], $0x0  }
0x24: {  	s3 =	sadd.s32 $0x88, s3;
	s6 =	simm.s32 @!p1 $0x1082;
	[sflag:s4] =	ssyncset.s32 $0xFFFFF086  }
0x25: {  	[simem:s6], [sflag:s4] =	dma.local [hbm:s3], $0xF7A  }
0x26: {  	[smem:$0x3F9E] =	sst s1;
	(tag) =	ssettag s2;
	_ =	strace s9  }
0x27: {  	s1 =	sld [smem:$0x3FAE]  }
0x28: {  	s2 =	sld [smem:$0x3FAF]  }
0x29: {  	s4 =	sld [smem:$0x3FB1]  }
0x2a: {  	p0 =	seq.s32 s5, $0x0;
	s5 =	sld [smem:$0x3FB2]  }
0x2b: {  	s6 =	sld [smem:$0x3FB3]  }
0x2c: {  	s7 =	sld [smem:$0x3FB4]  }
0x2d: {  	s3 =	simm.s32 $0x108;
	s8 =	sld [smem:$0x3FB5]  }
0x2e: {  	s3 =	simm.s32 @!p0 $0x1082;
	s9 =	sld [smem:$0x3FB6]  }
0x2f: {  	lr =	sadd.s32 s0, s3;
	s0 =	sld [smem:$0x3FAD]  }
0x30: {  	s3 =	sld [smem:$0x3FB0]  }
0x31: {  	[smem:$0x3FB9] =	sst s10  }
0x32: {  	s10 =	sld [smem:$0x3FB7];
	_ =	sdelay $0x3  }
0x33: {  	p0 =	seq.s32 s10, $0x1;
	s10 =	sld [smem:$0x3FB9];
	_ =	sdelay $0x3  }
0x34: {  	[smem:$0x3FB9] =	sst s10  }
0x35: {  	s10 =	sld [smem:$0x3FB8];
	_ =	sdelay $0x3  }
0x36: {  	p1 =	seq.s32 s10, $0x1;
	s10 =	sld [smem:$0x3FB9];
	_ =	sdelay $0x3  }
0x37: {  	[smem:$0x3FB9] =	sst s10  }
0x38: {  	s10 =	sld [smem:$0x3FBA]  }
0x39: {  	_ = 	snop;
	(pc) =	sbr.ind lr, $3  }
0x3a: {  	_ = 	snop  }
0x3b: {  	_ = 	snop  }
0x3c: {  	p2 =	seq.s32 s10, $0x1;
	s10 =	sld [smem:$0x3FB9]  }
0x3d: {  	_ =	shalt  }
0x3e: {  	_ =	shalt  }
0x3f: {  	_ =	shalt  }
0x40: {  	_ =	shalt  }
0x41: {  	_ =	shalt  }
0x42: {  	_ =	shalt  }
0x43: {  	_ =	shalt  }
0x44: {  	_ =	shalt  }
0x45: {  	_ =	shalt  }
0x46: {  	_ =	shalt  }
0x47: {  	_ =	shalt  }
0x48: {  	_ =	shalt  }
0x49: {  	_ =	shalt  }
0x4a: {  	_ =	shalt  }
0x4b: {  	_ =	shalt  }
0x4c: {  	_ =	shalt  }
0x4d: {  	_ =	shalt  }
0x4e: {  	_ =	shalt  }
0x4f: {  	_ =	shalt  }
0x50: {  	_ =	shalt  }
0x51: {  	_ =	shalt  }
0x52: {  	_ =	shalt  }
0x53: {  	_ =	shalt  }
0x54: {  	_ =	shalt  }
0x55: {  	_ =	shalt  }
0x56: {  	_ =	shalt  }
0x57: {  	_ =	shalt  }
0x58: {  	_ =	shalt  }
0x59: {  	_ =	shalt  }
0x5a: {  	_ =	shalt  }
0x5b: {  	_ =	shalt  }
0x5c: {  	_ =	shalt  }
0x5d: {  	_ =	shalt  }
0x5e: {  	_ =	shalt  }
0x5f: {  	_ =	shalt  }
0x60: {  	_ =	shalt  }
0x61: {  	_ =	shalt  }
0x62: {  	_ =	shalt  }
0x63: {  	_ =	shalt  }
0x64: {  	_ =	shalt  }
0x65: {  	_ =	shalt  }
0x66: {  	_ =	shalt  }
0x67: {  	_ =	shalt  }
0x68: {  	_ =	shalt  }
0x69: {  	_ =	shalt  }
0x6a: {  	_ =	shalt  }
0x6b: {  	_ =	shalt  }
0x6c: {  	_ =	shalt  }
0x6d: {  	_ =	shalt  }
0x6e: {  	_ =	shalt  }
0x6f: {  	_ =	shalt  }
0x70: {  	_ =	shalt  }
0x71: {  	_ =	shalt  }
0x72: {  	_ =	shalt  }
0x73: {  	_ =	shalt  }
0x74: {  	_ =	shalt  }
0x75: {  	_ =	shalt  }
0x76: {  	_ =	shalt  }
0x77: {  	_ =	shalt  }
0x78: {  	_ =	shalt  }
0x79: {  	_ =	shalt  }
0x7a: {  	_ =	shalt  }
0x7b: {  	_ =	shalt  }
0x7c: {  	_ =	shalt  }
0x7d: {  	_ =	shalt  }
0x7e: {  	_ =	shalt  }
0x7f: {  	_ =	shalt  }
0x80: {  	_ =	shalt  }
0x81: {  	_ =	shalt  }
0x82: {  	_ =	shalt  }
0x83: {  	_ =	shalt  }
0x84: {  	_ =	shalt  }
0x85: {  	_ =	shalt  }
0x86: {  	_ =	shalt  }
0x87: {  	_ =	shalt  }
.Lfunc_end0:
.L_simem_size_0:
called_computation_lowered:
.L_overlay_start_0:
0x88: {  	s2 =	sld [smem:$0x3FD9]  }
0x89: {  	s3 =	sld [smem:$0x3FFE];
	_ =	sdelay $0x1  }
0x8a: {  	s1 =	srdreg.scid  }
0x8b: {  	s0 =	sand.u32 $0x1, s1  }
0x8c: {  	s14 =	sshll.u32 s0, $0xA;
	s2 =	sadd.s32 s3, s2  }
0x8d: {  	s2 =	sadd.s32 s2, s14  }
0x8e: {  	[smem:$0x3FC5] =	sst s2  }
0x8f: {  	_ = 	snop  }
0x90: {  	s2 =	sld [smem:$0x3FD0];
	_ =	sdelay $0x2  }
0x91: {  	s15 =	simm.s32 $0xA;
	s4 =	simm.s32 $0x10  }
0x92: {  	[smem:s4], [sflag:s15] =	dma.local [hbm:s2], $0x1  }
0x93: {  	_ =	swait.eq [sflag:s15], $0x1  }
0x94: {  	[sflag:s15] =	ssyncset.done $0x0  }
0x95: {  	[sflag:s15] =	ssyncadd.s32 $0xFFFFFFFF  }
0x96: {  	s16 =	sld [smem:$0x11];
	(tm) =	ssettm $0x1  }
0x97: {  	s17 =	sld [smem:$0x3FFB];
	_ =	sdelay $0x3  }
0x98: {  	_ =	strace s17  }
0x99: {  	s3 =	sld [smem:$0x3FFC];
	_ =	sdelay $0x3  }
0x9a: {  	_ =	strace s3  }
0x9b: {  	s3 =	sld [smem:$0x3FFD];
	_ =	sdelay $0x3  }
0x9c: {  	_ =	strace s3  }
0x9d: {  	_ =	strace $0x8FFFFFFF  }
0x9e: {  	s18 =	sld [smem:$0x3FDB];
	_ =	sdelay $0x1  }
0x9f: {  	s19 =	simm.s32 $_scs_section_size  }
0xa0: {  	s5 =	simm.s32 $_size__tile_overlayer_lowered;
	s6 =	simm.s32 $_tile_overlayer_lowered  }
0xa1: {  	s22 =	simm.s32 $0x1BFF;
	s21 =	sshll.u32 s6, $0x1;
	s3 =	sadd.s32 s19, s18  }
0xa2: {  	s7 =	simm.s32 $0x0;
	s20 =	sshll.u32 s5, $0x1;
	s5 =	sadd.s32 s21, s3  }
0xa3: {  	[timem:s7], [sflag:s22] =	dma.local [hbm:s5], s20  }
0xa4: {  	_ =	swait.ge [sflag:s22], s20  }
0xa5: {  	s4 =	ssub.s32 $0x0, s20;
	[sflag:s22] =	ssyncset.done $0x0  }
0xa6: {  	[sflag:s22] =	ssyncadd.s32 s4;
	_ =	sdelay $0x1  }
0xa7: {  	s23 =	simm.s32 $0x1B8B  }
0xa8: {  	_ =	swait.ge [sflag:s23], $0x1  }
0xa9: {  	[sflag:s23] =	ssyncset.done $0x0  }
0xaa: {  	s25 =	simm.s32 $0x1B8E;
	s24 =	sld [smem:$0x3FFE];
	[sflag:s23] =	ssyncadd.s32 $0xFFFFFFFF  }
0xab: {  	s26 =	simm.s32 $execute0_lowered;
	[smem:$0x3FD2] =	sst s25  }
0xac: {  	s5 =	sshll.u32 s26, $0x1;
	_ =	strace $0x80000046;
	[dreg:$0x1] =	wrdreg $0xFFFFFFFF  }
0xad: {  	s28 =	simm.s32 $_size_execute0_lowered;
	s3 =	sadd.s32 s3, s5;
	[dreg:$0x0] =	wrdreg $0x0  }
0xae: {  	s5 =	sshll.u32 s28, $0x1;
	[dreg:$0x2] =	wrdreg s3  }
0xaf: {  	[dreg:$0x3] =	wrdreg s5  }
0xb0: {  	[dreg:$0x4] =	wrdreg $0xC0  }
0xb1: {  	_ =	task [dreg:s7], $0x5FFFF  }
0xb2: {  	[dreg:$0x1] =	wrdreg $0xFFFFFFFF  }
0xb3: {  	[dreg:$0x0] =	wrdreg $0x60  }
0xb4: {  	[dreg:$0x2] =	wrdreg s24  }
0xb5: {  	[dreg:$0x3] =	wrdreg s16  }
0xb6: {  	[dreg:$0x4] =	wrdreg $0x9  }
0xb7: {  	_ =	task.clear_ibuf [dreg:s7], $0x5FFFF;
	_ =	strace $0x90000046  }
0xb8: {  	s29 =	simm.s32 $0x9;
	_ =	strace $0x80000048  }
0xb9: {  	_ =	swait.ge [sflag:s29], $0x1  }
0xba: {  	[sflag:s29] =	ssyncadd.s32 $0xFFFFFFFF  }
0xbb: {  	_ =	strace $0x90000048  }
0xbc: {  	_ =	sfence  }
0xbd: {  	s30 =	sld [smem:$0x0];
	_ =	sdelay $0x2  }
0xbe: {  	s31 =	sshll.u32 s1, $0xD;
	s1 =	sshrl.u32 s1, $0x2  }
0xbf: {  	s3 =	sand.u32 $0x4000, s31;
	s1 =	sadd.s32 s1, s30  }
0xc0: {  	s0 =	sor.u32 s3, s0;
	s1 =	sshll.u32 s1, $0x11  }
0xc1: {  	s0 =	sor.u32 s1, s0  }
0xc2: {  	s0 =	sadd.s32 $0x8F2B, s0  }
0xc3: {  	[sflag:s0] =	ssyncadd.remote.s32 $0x1  }
0xc4: {  	_ =	sfence.sel $0xFFFF  }
0xc5: {  	[dreg:$0x0] =	wrdreg $0xFFFFFFFF;
	(pc) =	sbr.abs _section_cstart, $3  }
0xc6: {  	[dreg:$0x1] =	wrdreg $0xFFFFFFFF  }
0xc7: {  	_ =	task.clear_ibuf [dreg:s7], $0x2FFFF;
	_ =	strace $0x9FFFFFFF  }
0xc8: {  	(tm) =	ssettm $0x7FFFFFFF  }
0xc9: {  	_ =	shalt  }
tec
execute0_lowered:
.L_overlay_start_1:
0x0: {  	(tag) =	ssettag $0x1  }
0x1: {  	s3 =	rddreg [dreg:$0x0]  }
0x2: {  	s4 =	rddreg [dreg:$0x1];
	s2 =	srdreg.scid  }
0x3: {  	s0 =	rddreg [dreg:$0x2];
	s1 =	stileid.u32;
	s10 =	simm.s32 $0x2000  }
0x4: {  	s11 =	simm.s32 $0x2400;
	s12 =	simm.s32 $0x2800;
	s13 =	simm.s32 $0x2C00  }
0x5: {  	s14 =	simm.s32 $0x0;
	s5 =	sand.u32 $0x1, s2;
	s2 =	simm.s32 $0x0  }
0x6: {  	s6 =	sshll.u32 s1, $0xB;
	s7 =	sshll.u32 s5, $0xA;
	[smem:$0x7FF] =	sst s2  }
0x7: {  	s5 =	ssub.s32 $0x2, s5;
	s6 =	sor.u32 s7, s6;
	_ =	strace $0x80000047  }
0x8: {  	s8 =	sshrl.u32 s5, $0x1;
	s7 =	sshrl.u32 s6, $0x3;
	s6 =	sadd.s32 s6, s3  }
0x9: {  	s8 =	ssub.s32 s5, s8;
	s9 =	sadd.s32 s7, s3;
	s3 =	sadd.s32 $0xC00, s6  }
0xa: {  	s4 =	sadd.s32 s4, s7;
	s8 =	smax.u32 s8, $0x1;
	s5 =	sadd.s32 $0x8C00, s9  }
0xb: {  	v0 =	vimm.s32 $0x3;
	v1 =	vimm.s32 $0x7;
	s6 =	sadd.s32 $0x9C00, s9;
	s7 =	sadd.s32 $0xAC00, s9;
	s9 =	simm.s32 $0x1  }
.LBB2_1:
0xc: {  	[tilespmem:s2], [sflag:$0x1] =	stream.linear.gather [hbm4b:s3+s2], $0x2000, $0x38;
	[tilespmem:$0x3000] =	vst v63  }
0xd: {  	_ =	swait.ge [sflag:s9], $0x2000  }
0xe: {  	s15 =	sand.u32 $0x70, s2;
	s16 =	sand.u32 $0x1C00, s2;
	[sflag:s9] =	ssyncset.done $0x0  }
0xf: {  	s15 =	sor.u32 s15, s16;
	[sflag:s9] =	ssyncadd.s32 $0xFFFFE000  }
0x10: {  	v2 =	vld [tilespmem:s15+$0x200]  }
0x11: {  	v3 =	vld [tilespmem:s15+$0x380]  }
0x12: {  	v4 =	vld [tilespmem:s15+$0x300]  }
0x13: {  	v5 =	vld [tilespmem:s15+$0x80]  }
0x14: {  	v6 =	vld [tilespmem:s15+$0x180]  }
0x15: {  	v7 =	vld [tilespmem:s15+$0x280]  }
0x16: {  	v8 =	vld [tilespmem:s15+$0x100]  }
0x17: {  	v9 =	vld [tilespmem:s15+$0x0];
	_ =	sdelay $0x3  }
0x18: {  	v10 =	vadd.f32 v3, v4;
	v11 =	vadd.f32 v6, v8  }
0x19: {  	v12 =	vadd.f32 v7, v2;
	v13 =	vadd.f32 v5, v9;
	_ =	sdelay $0x1  }
0x1a: {  	v14 =	vmax.f32 v12, v10;
	v15 =	vmax.f32 v13, v11  }
0x1b: {  	v14 =	vmax.f32 v15, v14  }
0x1c: {  	vm0 =	veq.f32 v12, v14  }
0x1d: {  	vm1 =	veq.f32 v11, v14;
	v58 =	vsel vm0, $0x2, v0  }
0x1e: {  	vm13 =	vne.f32 v13, v14;
	vm2 =	veq.f32 v13, v14;
	v15 =	vsel vm1, $0x1, v58  }
0x1f: {  	vm0 =	vmand vm13, vm1;
	v14 =	vsel vm2, $0x0, v15  }
0x20: {  	v13 =	vsel vm2, $0xBF800000, v13;
	vm14 =	veq.s32 v14, $0x2;
	vm3 =	veq.s32 v14, $0x3  }
0x21: {  	v11 =	vsel vm0, $0xBF800000, v11;
	v12 =	vsel vm14, $0xBF800000, v12;
	v10 =	vsel vm3, $0xBF800000, v10  }
0x22: {  	v59 =	vmax.f32 v13, v11;
	v10 =	vmax.f32 v12, v10  }
0x23: {  	v10 =	vmax.f32 v59, v10  }
0x24: {  	vm4 =	veq.f32 v12, v10;
	vm5 =	vne.f32 v13, v10;
	vm6 =	veq.f32 v13, v10  }
0x25: {  	vm15 =	veq.f32 v11, v10;
	v12 =	vsel vm4, $0x2, v0;
	vm2 =	vmor vm2, vm6  }
0x26: {  	vm4 =	vmand vm5, vm15;
	v10 =	vsel vm15, $0x1, v12;
	v9 =	vnsel vm2, $0x0, v9  }
0x27: {  	v5 =	vnsel vm2, $0x0, v5;
	vm0 =	vmor vm0, vm4;
	v10 =	vsel vm6, $0x0, v10  }
0x28: {  	v8 =	vnsel vm0, $0x0, v8;
	v60 =	vmax.f32 v9, v5;
	vm5 =	veq.s32 v10, $0x2  }
0x29: {  	v6 =	vnsel vm0, $0x0, v6;
	v11 =	vmax.f32 v60, v8;
	vm6 =	vmor vm14, vm5  }
0x2a: {  	vm7 =	veq.s32 v10, $0x3;
	v61 =	vnsel vm6, $0x0, v2;
	v2 =	vmax.f32 v11, v6  }
0x2b: {  	vm8 =	vmor vm3, vm7;
	v7 =	vnsel vm6, $0x0, v7;
	v2 =	vmax.f32 v2, v61  }
0x2c: {  	v4 =	vnsel vm8, $0x0, v4;
	v2 =	vmax.f32 v2, v7  }
0x2d: {  	v3 =	vnsel vm8, $0x0, v3;
	v2 =	vmax.f32 v2, v4  }
0x2e: {  	v2 =	vmax.f32 v2, v3  }
0x2f: {  	vm9 =	veq.f32 v4, v2  }
0x30: {  	vm10 =	veq.f32 v7, v2;
	v62 =	vsel vm9, $0x6, v1  }
0x31: {  	vm11 =	veq.f32 v61, v2;
	v10 =	vsel vm10, $0x5, v62  }
0x32: {  	vm12 =	veq.f32 v6, v2;
	v10 =	vsel vm11, $0x4, v10  }
0x33: {  	vm13 =	veq.f32 v8, v2;
	v10 =	vsel vm12, $0x3, v10  }
0x34: {  	vm14 =	veq.f32 v5, v2;
	v10 =	vsel vm13, $0x2, v10  }
0x35: {  	vm15 =	vne.f32 v9, v2;
	v10 =	vsel vm14, $0x1, v10  }
0x36: {  	vm1 =	vmand vm15, vm14;
	v10 =	vnsel vm15, $0x0, v10  }
0x37: {  	v9 =	vnsel vm15, $0xBF800000, v9;
	v5 =	vsel vm1, $0xBF800000, v5;
	vm4 =	veq.s32 v10, $0x2  }
0x38: {  	v63 =	vmax.f32 v9, v5;
	vm5 =	veq.s32 v10, $0x3;
	v8 =	vsel vm4, $0xBF800000, v8  }
0x39: {  	vm6 =	veq.s32 v10, $0x4;
	v6 =	vsel vm5, $0xBF800000, v6;
	v11 =	vmax.f32 v63, v8  }
0x3a: {  	vm7 =	veq.s32 v10, $0x5;
	v12 =	vsel vm6, $0xBF800000, v61;
	v11 =	vmax.f32 v11, v6  }
0x3b: {  	vm8 =	veq.s32 v10, $0x6;
	v7 =	vsel vm7, $0xBF800000, v7;
	v11 =	vmax.f32 v11, v12  }
0x3c: {  	vm9 =	veq.s32 v10, $0x7;
	v4 =	vsel vm8, $0xBF800000, v4;
	v11 =	vmax.f32 v11, v7  }
0x3d: {  	v3 =	vsel vm9, $0xBF800000, v3;
	v11 =	vmax.f32 v11, v4  }
0x3e: {  	v3 =	vmax.f32 v11, v3  }
0x3f: {  	vm0 =	veq.f32 v4, v3;
	vm12 =	veq.f32 v6, v3;
	v6 =	vadd.f32 v3, v2  }
0x40: {  	vm10 =	veq.f32 v7, v3;
	v4 =	vsel vm0, $0x6, v1  }
0x41: {  	s17 =	simm.s32 $0x10;
	s20 =	simm.s32 $0x80;
	vm11 =	veq.f32 v12, v3;
	v4 =	vsel vm10, $0x5, v4;
	(erf) = vrcp.f32 v6  }
0x42: {  	s21 =	simm.s32 $0x2010;
	s22 =	simm.s32 $0x2410;
	s23 =	simm.s32 $0x20;
	v4 =	vsel vm11, $0x4, v4  }
0x43: {  	s25 =	simm.s32 $0x2820;
	s26 =	simm.s32 $0x2C20;
	s24 =	simm.s32 $0x2400;
	vm13 =	veq.f32 v8, v3;
	v4 =	vsel vm12, $0x3, v4  }
0x44: {  	s28 =	simm.s32 $0x2800;
	s17 =	sand.u32 $0x70, s17;
	s18 =	sand.u32 $0x1C00, s20;
	vm14 =	veq.f32 v5, v3;
	v4 =	vsel vm13, $0x2, v4  }
0x45: {  	s29 =	simm.s32 $0x2C00;
	s16 =	simm.s32 $0x2C10;
	s19 =	sor.u32 s17, s18;
	vm15 =	veq.f32 v9, v3;
	v4 =	vsel vm14, $0x1, v4  }
0x46: {  	s17 =	simm.s32 $0x2410;
	s18 =	simm.s32 $0x2010;
	s15 =	simm.s32 $0x2810;
	[tilespmem:s10+$0x0] =	vst v10;
	v4 =	vsel vm15, $0x0, v4  }
.LBB2_2:
0x47: {  	s20 =	sadd.s32 $0x80, s20;
	s21 =	sadd.s32 $0x10, s21;
	s22 =	sadd.s32 $0x10, s22  }
0x48: {  	p0 =	sne.s32 s23, $0x3F0;
	s30 =	smov.u32 s23;
	s23 =	sadd.s32 $0x10, s23  }
0x49: {  	_ = 	snop  }
0x4a: {  	v5 =	vpop (erf)  }
0x4b: {  	v5 =	vmul.f32 $2.500000000e+00, v5;
	_ =	sdelay $0x1  }
0x4c: {  	s30 =	sand.u32 $0x70, s30;
	s31 =	sand.u32 $0x1C00, s20;
	v2 =	vmul.f32 v5, v2;
	v3 =	vmul.f32 v5, v3  }
0x4d: {  	s30 =	sor.u32 s30, s31;
	[tilespmem:s24+$0x0] =	vst v4;
	s24 =	smov.u32 s17;
	s17 =	smov.u32 s22  }
0x4e: {  	[tilespmem:s28+$0x0] =	vst v2;
	s28 =	smov.u32 s15;
	s15 =	smov.u32 s25  }
0x4f: {  	[tilespmem:s29+$0x0] =	vst v3;
	s29 =	smov.u32 s16;
	s16 =	smov.u32 s26  }
0x50: {  	v2 =	vld [tilespmem:s19+$0x200]  }
0x51: {  	v3 =	vld [tilespmem:s19+$0x380]  }
0x52: {  	v4 =	vld [tilespmem:s19+$0x300]  }
0x53: {  	v5 =	vld [tilespmem:s19+$0x80]  }
0x54: {  	v6 =	vld [tilespmem:s19+$0x180]  }
0x55: {  	v7 =	vld [tilespmem:s19+$0x280]  }
0x56: {  	v8 =	vld [tilespmem:s19+$0x100]  }
0x57: {  	v9 =	vld [tilespmem:s19+$0x0];
	s19 =	smov.u32 s30;
	_ =	sdelay $0x1  }
0x58: {  	v10 =	vadd.f32 v3, v4;
	_ =	sdelay $0x1  }
0x59: {  	v12 =	vadd.f32 v7, v2;
	v11 =	vadd.f32 v6, v8  }
0x5a: {  	v13 =	vadd.f32 v5, v9  }
0x5b: {  	v14 =	vmax.f32 v12, v10  }
0x5c: {  	v15 =	vmax.f32 v13, v11  }
0x5d: {  	v14 =	vmax.f32 v15, v14  }
0x5e: {  	vm0 =	veq.f32 v12, v14;
	vm2 =	veq.f32 v11, v14;
	vm1 =	vne.f32 v13, v14  }
0x5f: {  	v15 =	vsel vm0, $0x2, v0;
	vm1 =	vmand vm1, vm2  }
0x60: {  	vm3 =	veq.f32 v13, v14;
	v15 =	vsel vm2, $0x1, v15  }
0x61: {  	v14 =	vsel vm3, $0x0, v15  }
0x62: {  	v11 =	vsel vm1, $0xBF800000, v11;
	vm2 =	veq.s32 v14, $0x2;
	vm0 =	veq.s32 v14, $0x3  }
0x63: {  	v13 =	vsel vm3, $0xBF800000, v13;
	v12 =	vsel vm2, $0xBF800000, v12;
	v10 =	vsel vm0, $0xBF800000, v10  }
0x64: {  	v14 =	vmax.f32 v13, v11;
	v10 =	vmax.f32 v12, v10  }
0x65: {  	v10 =	vmax.f32 v14, v10  }
0x66: {  	vm4 =	veq.f32 v12, v10;
	vm5 =	vne.f32 v13, v10;
	vm6 =	veq.f32 v13, v10  }
0x67: {  	v12 =	vsel vm4, $0x2, v0;
	vm4 =	veq.f32 v11, v10;
	vm3 =	vmor vm3, vm6  }
0x68: {  	v10 =	vsel vm4, $0x1, v12;
	v9 =	vnsel vm3, $0x0, v9;
	vm4 =	vmand vm5, vm4  }
0x69: {  	v5 =	vnsel vm3, $0x0, v5;
	v10 =	vsel vm6, $0x0, v10;
	vm1 =	vmor vm1, vm4  }
0x6a: {  	v11 =	vmax.f32 v9, v5;
	v8 =	vnsel vm1, $0x0, v8;
	vm3 =	veq.s32 v10, $0x2  }
0x6b: {  	v6 =	vnsel vm1, $0x0, v6;
	vm1 =	vmor vm2, vm3;
	v11 =	vmax.f32 v11, v8  }
0x6c: {  	vm2 =	veq.s32 v10, $0x3;
	v12 =	vnsel vm1, $0x0, v2;
	v2 =	vmax.f32 v11, v6  }
0x6d: {  	v7 =	vnsel vm1, $0x0, v7;
	vm0 =	vmor vm0, vm2;
	v2 =	vmax.f32 v2, v12  }
0x6e: {  	v4 =	vnsel vm0, $0x0, v4;
	v3 =	vnsel vm0, $0x0, v3;
	v2 =	vmax.f32 v2, v7  }
0x6f: {  	v2 =	vmax.f32 v2, v4  }
0x70: {  	v2 =	vmax.f32 v2, v3  }
0x71: {  	vm0 =	veq.f32 v4, v2;
	vm1 =	veq.f32 v7, v2;
	vm2 =	veq.f32 v12, v2  }
0x72: {  	vm3 =	veq.f32 v8, v2;
	v10 =	vsel vm0, $0x6, v1;
	vm0 =	veq.f32 v6, v2  }
0x73: {  	vm4 =	vne.f32 v9, v2;
	v10 =	vsel vm1, $0x5, v10;
	vm1 =	veq.f32 v5, v2  }
0x74: {  	v9 =	vnsel vm4, $0xBF800000, v9;
	v10 =	vsel vm2, $0x4, v10;
	vm2 =	vmand vm4, vm1  }
0x75: {  	v10 =	vsel vm0, $0x3, v10;
	v5 =	vsel vm2, $0xBF800000, v5  }
0x76: {  	v10 =	vsel vm3, $0x2, v10  }
0x77: {  	v10 =	vsel vm1, $0x1, v10  }
0x78: {  	v11 =	vmax.f32 v9, v5;
	v10 =	vnsel vm4, $0x0, v10  }
0x79: {  	vm0 =	veq.s32 v10, $0x2;
	vm1 =	veq.s32 v10, $0x4;
	vm2 =	veq.s32 v10, $0x5;
	[tilespmem:s18+$0x0] =	vst v10;
	s18 =	smov.u32 s21  }
0x7a: {  	v8 =	vsel vm0, $0xBF800000, v8;
	vm0 =	veq.s32 v10, $0x3;
	v12 =	vsel vm1, $0xBF800000, v12  }
0x7b: {  	v7 =	vsel vm2, $0xBF800000, v7;
	v6 =	vsel vm0, $0xBF800000, v6;
	v11 =	vmax.f32 v11, v8  }
0x7c: {  	vm1 =	veq.s32 v10, $0x7;
	vm0 =	veq.s32 v10, $0x6;
	v10 =	vmax.f32 v11, v6  }
0x7d: {  	v3 =	vsel vm1, $0xBF800000, v3;
	v4 =	vsel vm0, $0xBF800000, v4;
	v10 =	vmax.f32 v10, v12  }
0x7e: {  	v10 =	vmax.f32 v10, v7  }
0x7f: {  	v10 =	vmax.f32 v10, v4  }
0x80: {  	v3 =	vmax.f32 v10, v3  }
0x81: {  	vm0 =	veq.f32 v4, v3;
	vm1 =	veq.f32 v12, v3;
	v4 =	vadd.f32 v3, v2  }
0x82: {  	vm2 =	veq.f32 v8, v3;
	v10 =	vsel vm0, $0x6, v1;
	vm0 =	veq.f32 v7, v3  }
0x83: {  	v7 =	vsel vm0, $0x5, v10;
	vm0 =	veq.f32 v9, v3;
	(erf) = vrcp.f32 v4  }
.Ltmp0:
0x84: {  	vm3 =	veq.f32 v5, v3;
	v4 =	vsel vm1, $0x4, v7;
	vm1 =	veq.f32 v6, v3;
	(pc) =	sbr.rel @p0 .LBB2_2-.Ltmp0, $4  }
0x85: {  	v4 =	vsel vm1, $0x3, v4  }
0x86: {  	v4 =	vsel vm2, $0x2, v4  }
0x87: {  	v4 =	vsel vm3, $0x1, v4  }
0x88: {  	s25 =	sadd.s32 $0x10, s25;
	s26 =	sadd.s32 $0x10, s26;
	v4 =	vsel vm0, $0x0, v4  }
0x89: {  	_ =	sdelay $0x2  }
0x8a: {  	v5 =	vpop (erf)  }
0x8b: {  	v5 =	vmul.f32 $2.500000000e+00, v5;
	_ =	sdelay $0x1  }
0x8c: {  	v2 =	vmul.f32 v5, v2  }
0x8d: {  	[tilespmem:s24+$0x0] =	vst v4;
	v3 =	vmul.f32 v5, v3  }
0x8e: {  	[tilespmem:s28+$0x0] =	vst v2  }
0x8f: {  	[tilespmem:s29+$0x0] =	vst v3  }
0x90: {  	v2 =	vld [tilespmem:s19+$0x200]  }
0x91: {  	v3 =	vld [tilespmem:s19+$0x380]  }
0x92: {  	v4 =	vld [tilespmem:s19+$0x300]  }
0x93: {  	v55 =	vld [tilespmem:s19+$0x80]  }
0x94: {  	v6 =	vld [tilespmem:s19+$0x180]  }
0x95: {  	v7 =	vld [tilespmem:s19+$0x280]  }
0x96: {  	v8 =	vld [tilespmem:s19+$0x100]  }
0x97: {  	v9 =	vld [tilespmem:s19+$0x0];
	_ =	sdelay $0x3  }
0x98: {  	v10 =	vadd.f32 v3, v4;
	v11 =	vadd.f32 v6, v8  }
0x99: {  	v12 =	vadd.f32 v7, v2;
	v13 =	vadd.f32 v55, v9;
	_ =	sdelay $0x1  }
0x9a: {  	v14 =	vmax.f32 v12, v10;
	v15 =	vmax.f32 v13, v11  }
0x9b: {  	v14 =	vmax.f32 v15, v14  }
0x9c: {  	vm0 =	veq.f32 v12, v14  }
0x9d: {  	vm1 =	veq.f32 v11, v14;
	v56 =	vsel vm0, $0x2, v0  }
0x9e: {  	vm13 =	vne.f32 v13, v14;
	vm2 =	veq.f32 v13, v14;
	v15 =	vsel vm1, $0x1, v56  }
0x9f: {  	vm0 =	vmand vm13, vm1;
	v14 =	vsel vm2, $0x0, v15  }
0xa0: {  	v13 =	vsel vm2, $0xBF800000, v13;
	vm14 =	veq.s32 v14, $0x2;
	vm3 =	veq.s32 v14, $0x3  }
0xa1: {  	v11 =	vsel vm0, $0xBF800000, v11;
	v12 =	vsel vm14, $0xBF800000, v12;
	v10 =	vsel vm3, $0xBF800000, v10  }
0xa2: {  	v57 =	vmax.f32 v13, v11;
	v10 =	vmax.f32 v12, v10  }
0xa3: {  	v10 =	vmax.f32 v57, v10  }
0xa4: {  	vm4 =	veq.f32 v12, v10;
	vm5 =	vne.f32 v13, v10;
	vm6 =	veq.f32 v13, v10  }
0xa5: {  	vm15 =	veq.f32 v11, v10;
	v12 =	vsel vm4, $0x2, v0;
	vm2 =	vmor vm2, vm6  }
0xa6: {  	vm4 =	vmand vm5, vm15;
	v10 =	vsel vm15, $0x1, v12;
	v9 =	vnsel vm2, $0x0, v9  }
0xa7: {  	v5 =	vnsel vm2, $0x0, v55;
	vm0 =	vmor vm0, vm4;
	v10 =	vsel vm6, $0x0, v10  }
0xa8: {  	v8 =	vnsel vm0, $0x0, v8;
	v58 =	vmax.f32 v9, v5;
	vm5 =	veq.s32 v10, $0x2  }
0xa9: {  	v6 =	vnsel vm0, $0x0, v6;
	v11 =	vmax.f32 v58, v8;
	vm6 =	vmor vm14, vm5  }
0xaa: {  	vm7 =	veq.s32 v10, $0x3;
	v59 =	vmax.f32 v11, v6;
	v2 =	vnsel vm6, $0x0, v2  }
0xab: {  	vm8 =	vmor vm3, vm7;
	v7 =	vnsel vm6, $0x0, v7;
	v10 =	vmax.f32 v59, v2  }
0xac: {  	v4 =	vnsel vm8, $0x0, v4;
	v10 =	vmax.f32 v10, v7  }
0xad: {  	v3 =	vnsel vm8, $0x0, v3;
	v10 =	vmax.f32 v10, v4  }
0xae: {  	v10 =	vmax.f32 v10, v3  }
0xaf: {  	vm9 =	veq.f32 v4, v10  }
0xb0: {  	vm10 =	veq.f32 v7, v10;
	v60 =	vsel vm9, $0x6, v1  }
0xb1: {  	vm11 =	veq.f32 v2, v10;
	v11 =	vsel vm10, $0x5, v60  }
0xb2: {  	vm12 =	veq.f32 v6, v10;
	v11 =	vsel vm11, $0x4, v11  }
0xb3: {  	vm13 =	veq.f32 v8, v10;
	v11 =	vsel vm12, $0x3, v11  }
0xb4: {  	vm14 =	veq.f32 v5, v10;
	v11 =	vsel vm13, $0x2, v11  }
0xb5: {  	vm15 =	vne.f32 v9, v10;
	v11 =	vsel vm14, $0x1, v11  }
0xb6: {  	vm1 =	vmand vm15, vm14;
	v11 =	vnsel vm15, $0x0, v11  }
0xb7: {  	v9 =	vnsel vm15, $0xBF800000, v9;
	v5 =	vsel vm1, $0xBF800000, v5;
	vm4 =	veq.s32 v11, $0x2  }
0xb8: {  	v61 =	vmax.f32 v9, v5;
	vm5 =	veq.s32 v11, $0x3;
	v8 =	vsel vm4, $0xBF800000, v8  }
0xb9: {  	vm6 =	veq.s32 v11, $0x4;
	v6 =	vsel vm5, $0xBF800000, v6;
	v12 =	vmax.f32 v61, v8  }
0xba: {  	vm7 =	veq.s32 v11, $0x5;
	v2 =	vsel vm6, $0xBF800000, v2;
	v12 =	vmax.f32 v12, v6  }
0xbb: {  	vm8 =	veq.s32 v11, $0x6;
	v7 =	vsel vm7, $0xBF800000, v7;
	v12 =	vmax.f32 v12, v2  }
0xbc: {  	vm9 =	veq.s32 v11, $0x7;
	v4 =	vsel vm8, $0xBF800000, v4;
	v12 =	vmax.f32 v12, v7  }
0xbd: {  	v3 =	vsel vm9, $0xBF800000, v3;
	v12 =	vmax.f32 v12, v4  }
0xbe: {  	v3 =	vmax.f32 v12, v3  }
0xbf: {  	v12 =	vadd.f32 v3, v10;
	_ =	sdelay $0x1  }
0xc0: {  	(erf) = vrcp.f32 v12;
	_ =	sdelay $0x4  }
0xc1: {  	vm0 =	veq.f32 v4, v3  }
0xc2: {  	vm10 =	veq.f32 v7, v3;
	v4 =	vsel vm0, $0x6, v1  }
0xc3: {  	vm11 =	veq.f32 v2, v3;
	v2 =	vsel vm10, $0x5, v4  }
0xc4: {  	vm12 =	veq.f32 v6, v3;
	v2 =	vsel vm11, $0x4, v2  }
0xc5: {  	vm13 =	veq.f32 v8, v3;
	v2 =	vsel vm12, $0x3, v2;
	v62 =	vpop (erf)  }
0xc6: {  	vm14 =	veq.f32 v5, v3;
	v2 =	vsel vm13, $0x2, v2;
	v4 =	vmul.f32 $2.500000000e+00, v62  }
0xc7: {  	vm15 =	veq.f32 v9, v3;
	v2 =	vsel vm14, $0x1, v2  }
0xc8: {  	[tilespmem:s18+$0x0] =	vst v11;
	v2 =	vsel vm15, $0x0, v2;
	v63 =	vmul.f32 v4, v10  }
0xc9: {  	[tilespmem:s17+$0x0] =	vst v2;
	v3 =	vmul.f32 v4, v3  }
0xca: {  	[tilespmem:s15+$0x0] =	vst v63  }
0xcb: {  	[tilespmem:s16+$0x0] =	vst v3  }
0xcc: {  	[hbm4b:s4+s2] =	stream.linear.scatter [tilespmem:s10], [sflag:$0x1], $0x400, $0x38;
	[tilespmem:$0x3000] =	vst v63  }
0xcd: {  	_ =	swait.ge [sflag:s9], $0x400  }
0xce: {  	[sflag:s9] =	ssyncset.done $0x0  }
0xcf: {  	[sflag:s9] =	ssyncadd.s32 $0xFFFFFC00  }
0xd0: {  	[hbm4b:s5+s2] =	stream.linear.scatter [tilespmem:s11], [sflag:$0x1], $0x400, $0x38;
	[tilespmem:$0x3000] =	vst v63  }
0xd1: {  	_ =	swait.ge [sflag:s9], $0x400  }
0xd2: {  	[sflag:s9] =	ssyncset.done $0x0  }
0xd3: {  	[sflag:s9] =	ssyncadd.s32 $0xFFFFFC00  }
0xd4: {  	[hbm4b:s6+s2] =	stream.linear.scatter [tilespmem:s12], [sflag:$0x1], $0x400, $0x38;
	[tilespmem:$0x3000] =	vst v63  }
0xd5: {  	s14 =	sadd.s32 $0x1, s14;
	_ =	swait.ge [sflag:s9], $0x400  }
0xd6: {  	p0 =	sne.s32 s14, s8;
	[sflag:s9] =	ssyncset.done $0x0  }
.Ltmp1:
0xd7: {  	[sflag:s9] =	ssyncadd.s32 $0xFFFFFC00;
	(pc) =	sbr.rel @p0 .LBB2_1-.Ltmp1, $4  }
0xd8: {  	[hbm4b:s7+s2] =	stream.linear.scatter [tilespmem:s13], [sflag:$0x1], $0x400, $0x38;
	[tilespmem:$0x3000] =	vst v63  }
0xd9: {  	_ =	swait.ge [sflag:s9], $0x400  }
0xda: {  	[sflag:s9] =	ssyncset.done $0x0  }
0xdb: {  	[sflag:s9] =	ssyncadd.s32 $0xFFFFFC00  }
0xdc: {  	_ =	sfence.sel $0x180000  }
0xdd: {  	[bflag:$0x0] =	sbarrier.arrive $0xFFFF  }
0xde: {  	p0 =	sne.s32 s1, $0x0;
	_ =	strace $0x90000047  }
0xdf: {  	s0 =	sadd.s32 @!p0 $0x100000, s0;
	[bflag:$0x2] =	sbarrier.arrive $0xFFFF  }
0xe0: {  	[sflag:s0] =	ssyncadd.tile.s32 @!p0 $0x1;
	_ =	shalt  }
.Lfunc_end2:
_tile_overlayer_lowered:
.L_overlay_start_2:
0xe1: {  	(tag) =	ssettag $0x2  }
0xe2: {  	s0 =	rddreg [dreg:$0x0];
	s2 =	stileid.u32  }
0xe3: {  	s1 =	rddreg [dreg:$0x1];
	p0 =	sne.s32 s2, $0x0  }
0xe4: {  	s3 =	rddreg [dreg:$0x2];
	[bflag:$0x3] =	sbarrier.arrive $0xFFFF;
	s2 =	simm.s32 @!p0 $0x1C01  }
0xe5: {  	[timem:s3], [sflag:s2] =	dma.local @!p0 [hbm:s0], s1  }
0xe6: {  	s0 =	simm.s32 @!p0 $0x1  }
0xe7: {  	_ =	swait.ge @!p0 [sflag:s0], s1  }
0xe8: {  	s1 =	ssub.s32 @!p0 $0x0, s1;
	[sflag:s0] =	ssyncset.done @!p0 $0x0  }
0xe9: {  	[sflag:s0] =	ssyncadd.s32 @!p0 s1  }
0xea: {  	[bflag:$0x3] =	sbarrier.arrive $0xFFFF  }
0xeb: {  	_ =	shalt  }

</sc_bundles>
